<compile_context>
chip_gen: v7x
topology: tpu7x:2x2x1
jax: 0.10.2.dev20260603
libtpu: 0.0.44.dev20260713+nightly
codegen_flags: <defaults>
</compile_context>

<pallas_src>
import functools

import jax
import jax.numpy as jnp
from jax import lax
from jax.experimental import pallas as pl
from jax.experimental.pallas import tpu as pltpu
from jax.experimental.pallas import tpu_sc as plsc

_H = 256
_W = 256
_FC = 1024
_ROWS_PER_BLOCK = 8
_P = _ROWS_PER_BLOCK * _W
_D = 8

_SC_CHUNK = 128


def _pix_coords(i):
    pix = lax.broadcasted_iota(jnp.int32, (_P, 1), 0) + i * _P
    row = pix >> 8
    col = pix & (_W - 1)
    pyf = 1.0 - 2.0 * (row.astype(jnp.float32) + 0.5) / _H
    pxf = 1.0 - 2.0 * (col.astype(jnp.float32) + 0.5) / _W
    return pxf, pyf


def _raster_body(climit_ref, fd_ref, idx_ref, vis_ref):
    i = pl.program_id(0)
    pxf, pyf = _pix_coords(i)
    lane = lax.broadcasted_iota(jnp.int32, (_P, _FC), 1)
    inf = jnp.float32(jnp.inf)

    def body(c, carry):
        run_z, run_i = carry
        fd = fd_ref[c]
        na0, nb0, nc0 = fd[0:1], fd[1:2], fd[2:3]
        na1, nb1, nc1 = fd[3:4], fd[4:5], fd[5:6]
        absden, u0, u1, z2 = fd[6:7], fd[7:8], fd[8:9], fd[9:10]

        n0 = na0 * pyf + nb0 * pxf + nc0
        n1 = na1 * pyf + nb1 * pxf + nc1
        n2 = absden - (n0 + n1)
        inside = jnp.minimum(jnp.minimum(n0, n1), n2) >= 0.0
        zb = n0 * u0 + n1 * u1 + z2
        zf = jnp.where(inside, zb, inf)

        minz = jnp.min(zf, axis=1, keepdims=True)
        cand = jnp.where(zf == minz, lane, _FC)
        lanewin = jnp.min(cand, axis=1, keepdims=True)

        better = minz < run_z
        run_z = jnp.where(better, minz, run_z)
        run_i = jnp.where(better, lanewin + c * _FC, run_i)
        return run_z, run_i

    run_z0 = jnp.full((_P, 1), inf, dtype=jnp.float32)
    run_i0 = jnp.zeros((_P, 1), dtype=jnp.int32)
    run_z, run_i = lax.fori_loop(0, climit_ref[i], body, (run_z0, run_i0))

    idx_ref[...] = run_i
    vis_ref[...] = (run_z < inf).astype(jnp.float32)


def _gather_body(coef_hbm, idx_hbm, g_hbm, idx_v, rows_v, sem):
    wid = lax.axis_index("s") * 2 + lax.axis_index("c")
    npix = (_H * _W) // 32
    nchunks = npix // _SC_CHUNK

    def chunk(ci, carry):
        base = wid * npix + ci * _SC_CHUNK
        pltpu.sync_copy(idx_hbm.at[pl.ds(base, _SC_CHUNK)], idx_v)
        pltpu.async_copy(coef_hbm.at[idx_v], rows_v, sem).wait()
        pltpu.sync_copy(rows_v, g_hbm.at[pl.ds(base, _SC_CHUNK)])
        return carry

    lax.fori_loop(0, nchunks, chunk, 0)


def _interp_body(g_ref, vis_ref, out_ref):
    pxf, pyf = _pix_coords(pl.program_id(0))
    g = g_ref[...]
    gp = g[:, 0:_D]
    gq = g[:, _D:2 * _D]
    gr = g[:, 2 * _D:3 * _D]
    vis = vis_ref[...]
    out8 = (gp * pyf + gq * pxf + gr) * vis
    out_ref[...] = jnp.concatenate(
        [out8, vis, jnp.zeros((_P, 16 - _D - 1), jnp.float32)], axis=1)


def kernel(vertices, faces, attributes):
    verts = vertices[0].astype(jnp.float32)
    f = faces[0]
    F = f.shape[0]

    fv = verts[f]
    x0, y0, z0 = fv[:, 0, 0], fv[:, 0, 1], fv[:, 0, 2]
    x1, y1, z1 = fv[:, 1, 0], fv[:, 1, 1], fv[:, 1, 2]
    x2, y2, z2 = fv[:, 2, 0], fv[:, 2, 1], fv[:, 2, 2]

    ymin = jnp.minimum(jnp.minimum(y0, y1), y2)
    order = jnp.argsort(ymin, stable=True)
    ymin_s = ymin[order]
    fvs = fv[order]
    x0, y0, z0 = fvs[:, 0, 0], fvs[:, 0, 1], fvs[:, 0, 2]
    x1, y1, z1 = fvs[:, 1, 0], fvs[:, 1, 1], fvs[:, 1, 2]
    x2, y2, z2 = fvs[:, 2, 0], fvs[:, 2, 1], fvs[:, 2, 2]

    area = (x1 - x0) * (y2 - y0) - (y1 - y0) * (x2 - x0)
    valid = jnp.abs(area) > 1e-8
    den = jnp.where(valid, area, 1.0)
    s = jnp.sign(den)

    e0x, e0y = x2 - x1, y2 - y1
    e1x, e1y = x0 - x2, y0 - y2
    c0 = e0y * x1 - e0x * y1
    c1 = e1y * x2 - e1x * y2

    na0, nb0 = s * e0x, -s * e0y
    na1, nb1 = s * e1x, -s * e1y
    nc0 = jnp.where(valid, s * c0, -1.0)
    na0 = jnp.where(valid, na0, 0.0)
    nb0 = jnp.where(valid, nb0, 0.0)
    nc1 = s * c1
    absden = jnp.abs(den)
    u0 = (z0 - z2) / absden
    u1 = (z1 - z2) / absden

    Fp = ((F + _FC - 1) // _FC) * _FC
    nchunks = Fp // _FC
    pad = Fp - F

    def padf(a):
        return jnp.pad(a, (0, pad))

    zero = jnp.zeros((Fp,), jnp.float32)
    fd = jnp.stack([
        padf(na0), padf(nb0), jnp.pad(nc0, (0, pad), constant_values=-1.0),
        padf(na1), padf(nb1), padf(nc1),
        padf(absden), padf(u0), padf(u1), padf(z2),
        zero, zero, zero, zero, zero, zero,
    ], axis=0)
    fd = fd.reshape(16, nchunks, _FC).transpose(1, 0, 2)

    nblocks = (_H * _W) // _P
    r0 = jnp.arange(nblocks, dtype=jnp.float32) * _ROWS_PER_BLOCK
    yhi = 1.0 - 2.0 * (r0 + 0.5) / _H
    counts = jnp.searchsorted(ymin_s, yhi, side='right')
    climit = ((counts + _FC - 1) // _FC).astype(jnp.int32)

    att = attributes[0].astype(jnp.float32)[order]
    e2x, e2y = x1 - x0, y1 - y0
    c2 = e2y * x0 - e2x * y0
    ex = jnp.stack([e0x, e1x, e2x], 1)
    ey = jnp.stack([e0y, e1y, e2y], 1)
    cc = jnp.stack([c0, c1, c2], 1)
    Pm = jnp.einsum('fk,fkd->fd', ex, att) / den[:, None]
    Qm = -jnp.einsum('fk,fkd->fd', ey, att) / den[:, None]
    Rm = jnp.einsum('fk,fkd->fd', cc, att) / den[:, None]
    coef = jnp.concatenate([Pm, Qm, Rm], axis=1)

    idx, vis = pl.pallas_call(
        _raster_body,
        grid_spec=pltpu.PrefetchScalarGridSpec(
            num_scalar_prefetch=1,
            grid=(nblocks,),
            in_specs=[
                pl.BlockSpec((nchunks, 16, _FC), lambda i, c: (0, 0, 0)),
            ],
            out_specs=[
                pl.BlockSpec((_P, 1), lambda i, c: (i, 0)),
                pl.BlockSpec((_P, 1), lambda i, c: (i, 0)),
            ],
        ),
        out_shape=[
            jax.ShapeDtypeStruct((_H * _W, 1), jnp.int32),
            jax.ShapeDtypeStruct((_H * _W, 1), jnp.float32),
        ],
    )(climit, fd)

    idx1 = idx.reshape(_H * _W)

    mesh = plsc.VectorSubcoreMesh(core_axis_name="c", subcore_axis_name="s")
    gathered = functools.partial(
        pl.kernel, mesh=mesh,
        out_type=jax.ShapeDtypeStruct((_H * _W, 3 * _D), jnp.float32),
        compiler_params=pltpu.CompilerParams(use_tc_tiling_on_sc=False),
        scratch_types=[
            pltpu.VMEM((_SC_CHUNK,), jnp.int32),
            pltpu.VMEM((_SC_CHUNK, 3 * _D), jnp.float32),
            pltpu.SemaphoreType.DMA,
        ],
    )(_gather_body)(coef, idx1)

    out = pl.pallas_call(
        _interp_body,
        grid=(nblocks,),
        in_specs=[
            pl.BlockSpec((_P, 3 * _D), lambda i: (i, 0)),
            pl.BlockSpec((_P, 1), lambda i: (i, 0)),
        ],
        out_specs=pl.BlockSpec((_P, 16), lambda i: (i, 0)),
        out_shape=jax.ShapeDtypeStruct((_H * _W, 16), jnp.float32),
    )(gathered, vis)

    img = out[:, 0:_D + 1].reshape(_H, _W, _D + 1).transpose(2, 0, 1)
    return img[None]

# --- scband reference (transcript-rebuilt; emitter-appended) ---
"""Pipeline reference for scband-pytorch3d-rasterizer-14645838479426 (READ-ONLY COPY).

The authoritative reference and input builder live on the scoring server;
editing this copy changes nothing except your own understanding.
"""

import jax, jax.numpy as jnp
import numpy as np

IMAGE_SIZE = 256


def setup_inputs(seed: int = 0) -> dict:
    key = jax.random.key(seed)
    k1, k2, k3, k4 = jax.random.split(key, 4)
    V, F, D = 2500, 5000, 8
    verts = jax.random.uniform(k1, (1, V, 3), minval=-1.0, maxval=1.0, dtype=jnp.float32)
    z = jax.random.uniform(k2, (1, V), minval=0.5, maxval=2.5, dtype=jnp.float32)
    verts = verts.at[..., 2].set(z)
    faces = jax.random.randint(k3, (1, F, 3), 0, V, dtype=jnp.int32)
    attributes = jax.random.normal(k4, (1, F, 3, D), dtype=jnp.float32)
    return {"vertices": verts, "faces": faces, "attributes": attributes}


def _cross2(ux, uy, vx, vy):
    return ux * vy - uy * vx


def _rasterize(verts, faces, H, W):
    # verts: [V,3], faces: [F,3] -> pix_to_face [H,W] int, bary [H,W,3]
    fv = verts[faces]  # [F,3,3]
    x0, y0, z0 = fv[:, 0, 0], fv[:, 0, 1], fv[:, 0, 2]
    x1, y1, z1 = fv[:, 1, 0], fv[:, 1, 1], fv[:, 1, 2]
    x2, y2, z2 = fv[:, 2, 0], fv[:, 2, 1], fv[:, 2, 2]
    area = _cross2(x1 - x0, y1 - y0, x2 - x0, y2 - y0)  # [F]
    denom = jnp.where(jnp.abs(area) > 1e-8, area, 1.0)
    # pytorch3d NDC convention: +x left, +y up, pixel centers
    xs = 1.0 - 2.0 * (jnp.arange(W, dtype=jnp.float32) + 0.5) / W
    ys = 1.0 - 2.0 * (jnp.arange(H, dtype=jnp.float32) + 0.5) / H

    def row_fn(py):
        px = xs[:, None]  # [W,1]
        w0 = _cross2(x2 - x1, y2 - y1, px - x1, py - y1) / denom  # [W,F]
        w1 = _cross2(x0 - x2, y0 - y2, px - x2, py - y2) / denom
        w2 = _cross2(x1 - x0, y1 - y0, px - x0, py - y0) / denom
        inside = (w0 >= 0) & (w1 >= 0) & (w2 >= 0) & (jnp.abs(area) > 1e-8)
        zb = w0 * z0 + w1 * z1 + w2 * z2
        zb = jnp.where(inside, zb, jnp.inf)
        idx = jnp.argmin(zb, axis=-1)  # [W], faces_per_pixel=1
        minz = jnp.take_along_axis(zb, idx[:, None], axis=-1)[:, 0]
        hit = jnp.isfinite(minz)
        p2f = jnp.where(hit, idx, -1)
        b0 = jnp.take_along_axis(w0, idx[:, None], axis=-1)[:, 0]
        b1 = jnp.take_along_axis(w1, idx[:, None], axis=-1)[:, 0]
        b2 = jnp.take_along_axis(w2, idx[:, None], axis=-1)[:, 0]
        bary = jnp.stack([b0, b1, b2], axis=-1)
        bary = jnp.where(hit[:, None], bary, -1.0)
        return p2f, bary

    p2f, bary = jax.lax.map(row_fn, ys)
    return p2f, bary


def reference(vertices, faces, attributes):
    H = W = IMAGE_SIZE
    fixed_vertices = vertices.astype(jnp.float32)
    # packed single-batch rasterization (N=1, K=1)
    p2f, bary = _rasterize(fixed_vertices[0], faces[0], H, W)
    pix_to_face = p2f[None, :, :, None]            # [N,H,W,K]
    bary_coords = bary[None, :, :, None, :]         # [N,H,W,K,3]
    vismask = (pix_to_face > -1).astype(jnp.float32)
    mask = pix_to_face == -1
    pix_to_face = jnp.where(mask, 0, pix_to_face)
    N, Hh, Ww, K, _ = bary_coords.shape
    D = attributes.shape[-1]
    attr = attributes.reshape(attributes.shape[0] * attributes.shape[1], 3, D)
    idx = pix_to_face.reshape(N * Hh * Ww * K)
    pixel_face_vals = jnp.take(attr, idx, axis=0).reshape(N, Hh, Ww, K, 3, D)
    pixel_vals = (bary_coords[..., None] * pixel_face_vals).sum(axis=-2)
    pixel_vals = jnp.where(mask[..., None], 0.0, pixel_vals)
    pixel_vals = jnp.transpose(pixel_vals[:, :, :, 0], (0, 3, 1, 2))
    out = jnp.concatenate([pixel_vals, vismask[:, :, :, 0][:, None, :, :]], axis=1)
    return out

if __name__ == "__main__":
    import jax
    _d = setup_inputs()
    print(jax.jit(kernel)(*tuple(_d.values())))

</pallas_src>

<mosaic_0001>
#map = affine_map<(d0, d1) -> (0, 0)>
#map1 = affine_map<(d0, d1) -> (0)>
module attributes {stable_mosaic.version = 14 : i64} {
  func.func @_gather_body(%arg0: i32, %arg1: i32, %arg2: memref<5000x24xf32, #tpu.memory_space<hbm>>, %arg3: memref<65536xi32, #tpu.memory_space<hbm>>, %arg4: memref<65536x24xf32, #tpu.memory_space<hbm>>, %arg5: memref<128xi32, #tpu.memory_space<vmem>>, %arg6: memref<128x24xf32, #tpu.memory_space<vmem>>, %arg7: memref<!tpu.dma_semaphore, #tpu.memory_space<semaphore_mem>>) attributes {dimension_semantics = [#tpu.dimension_semantics<core_parallel>, #tpu.dimension_semantics<subcore_parallel>], iteration_bounds = array<i64: 2, 16>, scalar_prefetch = 0 : i64, scratch_operands = 3 : i64, tpu.core_type = #tpu.core_type<sc_vector_subcore>, window_params = [{transform_indices = #map}, {transform_indices = #map1}, {transform_indices = #map}]} {
    %mul3A = arith.constant 2 : i32
    %mul3A_0 = arith.muli %arg1, %mul3A : i32
    %add3A = arith.addi %mul3A_0, %arg0 : i32
    %scan3A = arith.constant 0 : i32
    %scan3A_1 = arith.constant 0 : i32
    %scan3A_2 = arith.constant 16 : i32
    %scan3A_3 = arith.addi %scan3A_1, %scan3A_2 : i32
    %scan3A_4 = arith.constant 1 : i32
    scf.for %scan3A_6 = %scan3A_1 to %scan3A_3 step %scan3A_4  : i32 {
      %mul3A_7 = arith.constant 2048 : i32
      %mul3A_8 = arith.muli %add3A, %mul3A_7 : i32
      %mul3A_9 = arith.constant 128 : i32
      %mul3A_10 = arith.muli %scan3A_6, %mul3A_9 : i32
      %add3A_11 = arith.addi %mul3A_8, %mul3A_10 : i32
      "tpu.region"() ({
        %run_scoped3A = tpu.sem_alloc : memref<!tpu.dma_semaphore, #tpu.memory_space<semaphore_mem>>
        %dma_start3A_16 = tpu.memref_slice %arg3[%add3A_11] : memref<65536xi32, #tpu.memory_space<hbm>> -> memref<128xi32, #tpu.memory_space<hbm>>
        %dma_start3A_17 = tpu.memref_slice %arg3[%add3A_11] : memref<65536xi32, #tpu.memory_space<hbm>> -> memref<128xi32, #tpu.memory_space<hbm>>
        tpu.enqueue_dma source(%dma_start3A_17 : memref<128xi32, #tpu.memory_space<hbm>>) target(%arg5 : memref<128xi32, #tpu.memory_space<vmem>>) target_semaphore(%run_scoped3A : memref<!tpu.dma_semaphore, #tpu.memory_space<semaphore_mem>>)
        %dma_wait3A_18 = tpu.memref_slice %arg3[%add3A_11] : memref<65536xi32, #tpu.memory_space<hbm>> -> memref<128xi32, #tpu.memory_space<hbm>>
        %dma_wait3A_19 = tpu.memref_slice %arg3[%add3A_11] : memref<65536xi32, #tpu.memory_space<hbm>> -> memref<128xi32, #tpu.memory_space<hbm>>
        tpu.wait_dma2 semaphore(%run_scoped3A : memref<!tpu.dma_semaphore, #tpu.memory_space<semaphore_mem>>) src(%dma_wait3A_19 : memref<128xi32, #tpu.memory_space<hbm>>) dst(%arg5 : memref<128xi32, #tpu.memory_space<vmem>>)
        tpu.yield
      }) : () -> ()
      %dma_start3A = arith.constant 0 : i32
      %dma_start3A_12 = arith.constant 0 : i32
      %dma_start3A_13 = tpu.memref_slice %arg2[%dma_start3A, %dma_start3A_12] : memref<5000x24xf32, #tpu.memory_space<hbm>> -> memref<5000x24xf32, #tpu.memory_space<hbm>>
      tpu.enqueue_indirect_dma source(%dma_start3A_13 : memref<5000x24xf32, #tpu.memory_space<hbm>>) target(%arg6 : memref<128x24xf32, #tpu.memory_space<vmem>>) offsets(%arg5 : memref<128xi32, #tpu.memory_space<vmem>>) semaphore(%arg7 : memref<!tpu.dma_semaphore, #tpu.memory_space<semaphore_mem>>)
      %dma_wait3A = arith.constant 0 : i32
      %dma_wait3A_14 = arith.constant 0 : i32
      %dma_wait3A_15 = tpu.memref_slice %arg2[%dma_wait3A, %dma_wait3A_14] : memref<5000x24xf32, #tpu.memory_space<hbm>> -> memref<5000x24xf32, #tpu.memory_space<hbm>>
      tpu.wait_indirect_dma semaphore(%arg7 : memref<!tpu.dma_semaphore, #tpu.memory_space<semaphore_mem>>) src(%dma_wait3A_15 : memref<5000x24xf32, #tpu.memory_space<hbm>>) dst(%arg6 : memref<128x24xf32, #tpu.memory_space<vmem>>)
      "tpu.region"() ({
        %run_scoped3A = tpu.sem_alloc : memref<!tpu.dma_semaphore, #tpu.memory_space<semaphore_mem>>
        %dma_start3A_16 = arith.constant 0 : i32
        %dma_start3A_17 = tpu.memref_slice %arg4[%add3A_11, %dma_start3A_16] : memref<65536x24xf32, #tpu.memory_space<hbm>> -> memref<128x24xf32, #tpu.memory_space<hbm>>
        %dma_start3A_18 = arith.constant 0 : i32
        %dma_start3A_19 = tpu.memref_slice %arg4[%add3A_11, %dma_start3A_18] : memref<65536x24xf32, #tpu.memory_space<hbm>> -> memref<128x24xf32, #tpu.memory_space<hbm>>
        tpu.enqueue_dma source(%arg6 : memref<128x24xf32, #tpu.memory_space<vmem>>) target(%dma_start3A_19 : memref<128x24xf32, #tpu.memory_space<hbm>>) target_semaphore(%run_scoped3A : memref<!tpu.dma_semaphore, #tpu.memory_space<semaphore_mem>>)
        %dma_wait3A_20 = arith.constant 0 : i32
        %dma_wait3A_21 = tpu.memref_slice %arg4[%add3A_11, %dma_wait3A_20] : memref<65536x24xf32, #tpu.memory_space<hbm>> -> memref<128x24xf32, #tpu.memory_space<hbm>>
        %dma_wait3A_22 = arith.constant 0 : i32
        %dma_wait3A_23 = tpu.memref_slice %arg4[%add3A_11, %dma_wait3A_22] : memref<65536x24xf32, #tpu.memory_space<hbm>> -> memref<128x24xf32, #tpu.memory_space<hbm>>
        tpu.wait_dma2 semaphore(%run_scoped3A : memref<!tpu.dma_semaphore, #tpu.memory_space<semaphore_mem>>) src(%arg6 : memref<128x24xf32, #tpu.memory_space<vmem>>) dst(%dma_wait3A_23 : memref<128x24xf32, #tpu.memory_space<hbm>>)
        tpu.yield
      }) : () -> ()
    }
    %scan3A_5 = arith.constant 16 : i32
    return
  }
}

module attributes {stable_mosaic.version = 14 : i64} {
  func.func @_raster_body(%arg0: i32, %arg1: memref<32xi32, #tpu.memory_space<smem>>, %arg2: memref<5x16x1024xf32, #tpu.memory_space<vmem>>, %arg3: memref<2048x1xi32, #tpu.memory_space<vmem>>, %arg4: memref<2048x1xf32, #tpu.memory_space<vmem>>) attributes {dimension_semantics = [#tpu.dimension_semantics<arbitrary>], iteration_bounds = array<i64: 32>, scalar_prefetch = 1 : i64, scratch_operands = 0 : i64, tpu.core_type = #tpu.core_type<tc>, window_params = [{pipeline_mode = #tpu.pipeline_mode<synchronous>, transform_indices = @transform_0, window_bounds = array<i64: 5, 16, 1024>}, {transform_indices = @transform_1, window_bounds = array<i64: 2048, 1>}, {transform_indices = @transform_2, window_bounds = array<i64: 2048, 1>}]} {
    %iota3A = tpu.iota {dimensions = array<i32: 0>} : vector<2048x1xi32>
    %mul3A = arith.constant 2048 : i32
    %mul3A_0 = arith.muli %arg0, %mul3A : i32
    %add3A = vector.broadcast %mul3A_0 : i32 to vector<2048x1xi32>
    %add3A_1 = arith.addi %iota3A, %add3A : vector<2048x1xi32>
    %shift_right_arithmetic3A = arith.constant 8 : i32
    %shift_right_arithmetic3A_2 = vector.broadcast %shift_right_arithmetic3A : i32 to vector<2048x1xi32>
    %shift_right_arithmetic3A_3 = arith.shrsi %add3A_1, %shift_right_arithmetic3A_2 : vector<2048x1xi32>
    %and3A = arith.constant 255 : i32
    %and3A_4 = vector.broadcast %and3A : i32 to vector<2048x1xi32>
    %and3A_5 = arith.andi %add3A_1, %and3A_4 : vector<2048x1xi32>
    %convert_element_type3A = arith.sitofp %shift_right_arithmetic3A_3 : vector<2048x1xi32> to vector<2048x1xf32>
    %add3A_6 = arith.constant 5.000000e-01 : f32
    %add3A_7 = vector.broadcast %add3A_6 : f32 to vector<2048x1xf32>
    %add3A_8 = arith.addf %convert_element_type3A, %add3A_7 : vector<2048x1xf32>
    %mul3A_9 = arith.constant 2.000000e+00 : f32
    %mul3A_10 = vector.broadcast %mul3A_9 : f32 to vector<2048x1xf32>
    %mul3A_11 = arith.mulf %mul3A_10, %add3A_8 : vector<2048x1xf32>
    %div3A = arith.constant 2.560000e+02 : f32
    %div3A_12 = vector.broadcast %div3A : f32 to vector<2048x1xf32>
    %div3A_13 = arith.divf %mul3A_11, %div3A_12 : vector<2048x1xf32>
    %sub3A = arith.constant 1.000000e+00 : f32
    %sub3A_14 = vector.broadcast %sub3A : f32 to vector<2048x1xf32>
    %sub3A_15 = arith.subf %sub3A_14, %div3A_13 : vector<2048x1xf32>
    %convert_element_type3A_16 = arith.sitofp %and3A_5 : vector<2048x1xi32> to vector<2048x1xf32>
    %add3A_17 = arith.constant 5.000000e-01 : f32
    %add3A_18 = vector.broadcast %add3A_17 : f32 to vector<2048x1xf32>
    %add3A_19 = arith.addf %convert_element_type3A_16, %add3A_18 : vector<2048x1xf32>
    %mul3A_20 = arith.constant 2.000000e+00 : f32
    %mul3A_21 = vector.broadcast %mul3A_20 : f32 to vector<2048x1xf32>
    %mul3A_22 = arith.mulf %mul3A_21, %add3A_19 : vector<2048x1xf32>
    %div3A_23 = arith.constant 2.560000e+02 : f32
    %div3A_24 = vector.broadcast %div3A_23 : f32 to vector<2048x1xf32>
    %div3A_25 = arith.divf %mul3A_22, %div3A_24 : vector<2048x1xf32>
    %sub3A_26 = arith.constant 1.000000e+00 : f32
    %sub3A_27 = vector.broadcast %sub3A_26 : f32 to vector<2048x1xf32>
    %sub3A_28 = arith.subf %sub3A_27, %div3A_25 : vector<2048x1xf32>
    %iota3A_29 = tpu.iota {dimensions = array<i32: 1>} : vector<2048x1024xi32>
    %broadcast_in_dim3A = arith.constant 0x7F800000 : f32
    %broadcast_in_dim3A_30 = vector.broadcast %broadcast_in_dim3A : f32 to vector<2048x1xf32>
    %broadcast_in_dim3A_31 = arith.constant 0 : i32
    %broadcast_in_dim3A_32 = vector.broadcast %broadcast_in_dim3A_31 : i32 to vector<2048x1xi32>
    %get3A = arith.index_cast %arg0 : i32 to index
    %get3A_33 = memref.load %arg1[%get3A] : memref<32xi32, #tpu.memory_space<smem>>
    %while3A = arith.constant 0x7F800000 : f32
    %while3A_34 = arith.constant 0 : i32
    %while3A_35 = arith.subi %get3A_33, %while3A_34 : i32
    %while3A_36 = arith.addi %while3A_34, %while3A_35 : i32
    %while3A_37 = arith.constant 1 : i32
    %while3A_38 = arith.divsi %while3A_35, %while3A_37 : i32
    %while3A_39 = arith.muli %while3A_38, %while3A_37 : i32
    %while3A_40 = arith.addi %while3A_34, %while3A_39 : i32
    %while3A_41 = arith.constant 1 : i32
    %while3A_42:2 = scf.for %while3A_54 = %while3A_34 to %while3A_40 step %while3A_41 iter_args(%while3A_55 = %broadcast_in_dim3A_30, %while3A_56 = %broadcast_in_dim3A_32) -> (vector<2048x1xf32>, vector<2048x1xi32>)  : i32 {
      %get3A_57 = arith.index_cast %while3A_54 : i32 to index
      %get3A_58 = arith.constant 0 : index
      %get3A_59 = arith.constant 0 : index
      %get3A_60 = vector.load %arg2[%get3A_57, %get3A_58, %get3A_59] : memref<5x16x1024xf32, #tpu.memory_space<vmem>>, vector<1x16x1024xf32>
      %get3A_61 = vector.shape_cast %get3A_60 : vector<1x16x1024xf32> to vector<16x1024xf32>
      %slice3A = vector.extract_strided_slice %get3A_61 {offsets = [0, 0], sizes = [1, 1024], strides = [1, 1]} : vector<16x1024xf32> to vector<1x1024xf32>
      %slice3A_62 = vector.extract_strided_slice %get3A_61 {offsets = [1, 0], sizes = [1, 1024], strides = [1, 1]} : vector<16x1024xf32> to vector<1x1024xf32>
      %slice3A_63 = vector.extract_strided_slice %get3A_61 {offsets = [2, 0], sizes = [1, 1024], strides = [1, 1]} : vector<16x1024xf32> to vector<1x1024xf32>
      %slice3A_64 = vector.extract_strided_slice %get3A_61 {offsets = [3, 0], sizes = [1, 1024], strides = [1, 1]} : vector<16x1024xf32> to vector<1x1024xf32>
      %slice3A_65 = vector.extract_strided_slice %get3A_61 {offsets = [4, 0], sizes = [1, 1024], strides = [1, 1]} : vector<16x1024xf32> to vector<1x1024xf32>
      %slice3A_66 = vector.extract_strided_slice %get3A_61 {offsets = [5, 0], sizes = [1, 1024], strides = [1, 1]} : vector<16x1024xf32> to vector<1x1024xf32>
      %slice3A_67 = vector.extract_strided_slice %get3A_61 {offsets = [6, 0], sizes = [1, 1024], strides = [1, 1]} : vector<16x1024xf32> to vector<1x1024xf32>
      %slice3A_68 = vector.extract_strided_slice %get3A_61 {offsets = [7, 0], sizes = [1, 1024], strides = [1, 1]} : vector<16x1024xf32> to vector<1x1024xf32>
      %slice3A_69 = vector.extract_strided_slice %get3A_61 {offsets = [8, 0], sizes = [1, 1024], strides = [1, 1]} : vector<16x1024xf32> to vector<1x1024xf32>
      %slice3A_70 = vector.extract_strided_slice %get3A_61 {offsets = [9, 0], sizes = [1, 1024], strides = [1, 1]} : vector<16x1024xf32> to vector<1x1024xf32>
      %mul3A_71 = vector.broadcast %slice3A : vector<1x1024xf32> to vector<2048x1024xf32>
      %mul3A_72 = vector.broadcast %sub3A_15 : vector<2048x1xf32> to vector<2048x1024xf32>
      %mul3A_73 = arith.mulf %mul3A_71, %mul3A_72 : vector<2048x1024xf32>
      %mul3A_74 = vector.broadcast %slice3A_62 : vector<1x1024xf32> to vector<2048x1024xf32>
      %mul3A_75 = vector.broadcast %sub3A_28 : vector<2048x1xf32> to vector<2048x1024xf32>
      %mul3A_76 = arith.mulf %mul3A_74, %mul3A_75 : vector<2048x1024xf32>
      %add3A_77 = arith.addf %mul3A_73, %mul3A_76 : vector<2048x1024xf32>
      %add3A_78 = vector.broadcast %slice3A_63 : vector<1x1024xf32> to vector<2048x1024xf32>
      %add3A_79 = arith.addf %add3A_77, %add3A_78 : vector<2048x1024xf32>
      %mul3A_80 = vector.broadcast %slice3A_64 : vector<1x1024xf32> to vector<2048x1024xf32>
      %mul3A_81 = vector.broadcast %sub3A_15 : vector<2048x1xf32> to vector<2048x1024xf32>
      %mul3A_82 = arith.mulf %mul3A_80, %mul3A_81 : vector<2048x1024xf32>
      %mul3A_83 = vector.broadcast %slice3A_65 : vector<1x1024xf32> to vector<2048x1024xf32>
      %mul3A_84 = vector.broadcast %sub3A_28 : vector<2048x1xf32> to vector<2048x1024xf32>
      %mul3A_85 = arith.mulf %mul3A_83, %mul3A_84 : vector<2048x1024xf32>
      %add3A_86 = arith.addf %mul3A_82, %mul3A_85 : vector<2048x1024xf32>
      %add3A_87 = vector.broadcast %slice3A_66 : vector<1x1024xf32> to vector<2048x1024xf32>
      %add3A_88 = arith.addf %add3A_86, %add3A_87 : vector<2048x1024xf32>
      %add3A_89 = arith.addf %add3A_79, %add3A_88 : vector<2048x1024xf32>
      %sub3A_90 = vector.broadcast %slice3A_67 : vector<1x1024xf32> to vector<2048x1024xf32>
      %sub3A_91 = arith.subf %sub3A_90, %add3A_89 : vector<2048x1024xf32>
      %min3A = arith.minimumf %add3A_79, %add3A_88 : vector<2048x1024xf32>
      %min3A_92 = arith.minimumf %min3A, %sub3A_91 : vector<2048x1024xf32>
      %ge3A = arith.constant 0.000000e+00 : f32
      %ge3A_93 = vector.broadcast %ge3A : f32 to vector<2048x1024xf32>
      %ge3A_94 = arith.cmpf oge, %min3A_92, %ge3A_93 : vector<2048x1024xf32>
      %mul3A_95 = vector.broadcast %slice3A_68 : vector<1x1024xf32> to vector<2048x1024xf32>
      %mul3A_96 = arith.mulf %add3A_79, %mul3A_95 : vector<2048x1024xf32>
      %mul3A_97 = vector.broadcast %slice3A_69 : vector<1x1024xf32> to vector<2048x1024xf32>
      %mul3A_98 = arith.mulf %add3A_88, %mul3A_97 : vector<2048x1024xf32>
      %add3A_99 = arith.addf %mul3A_96, %mul3A_98 : vector<2048x1024xf32>
      %add3A_100 = vector.broadcast %slice3A_70 : vector<1x1024xf32> to vector<2048x1024xf32>
      %add3A_101 = arith.addf %add3A_99, %add3A_100 : vector<2048x1024xf32>
      %broadcast_in_dim3A_102 = vector.broadcast %while3A : f32 to vector<2048x1024xf32>
      %select_n3A = arith.select %ge3A_94, %add3A_101, %broadcast_in_dim3A_102 : vector<2048x1024xi1>, vector<2048x1024xf32>
      %reduce_min3A = arith.constant dense<0x7F800000> : vector<2048xf32>
      %reduce_min3A_103 = vector.multi_reduction <minimumf>, %select_n3A, %reduce_min3A [1] : vector<2048x1024xf32> to vector<2048xf32>
      %broadcast_in_dim3A_104 = vector.shape_cast %reduce_min3A_103 : vector<2048xf32> to vector<2048x1xf32>
      %eq3A = vector.broadcast %broadcast_in_dim3A_104 : vector<2048x1xf32> to vector<2048x1024xf32>
      %eq3A_105 = arith.cmpf oeq, %select_n3A, %eq3A : vector<2048x1024xf32>
      %jit3A = arith.constant 1024 : i32
      %broadcast_in_dim3A_106 = vector.broadcast %jit3A : i32 to vector<2048x1024xi32>
      %select_n3A_107 = arith.select %eq3A_105, %iota3A_29, %broadcast_in_dim3A_106 : vector<2048x1024xi1>, vector<2048x1024xi32>
      %reduce_min3A_108 = arith.constant dense<2147483647> : vector<2048xi32>
      %reduce_min3A_109 = vector.multi_reduction <minsi>, %select_n3A_107, %reduce_min3A_108 [1] : vector<2048x1024xi32> to vector<2048xi32>
      %broadcast_in_dim3A_110 = vector.shape_cast %reduce_min3A_109 : vector<2048xi32> to vector<2048x1xi32>
      %lt3A_111 = arith.cmpf olt, %broadcast_in_dim3A_104, %while3A_55 : vector<2048x1xf32>
      %select_n3A_112 = arith.select %lt3A_111, %broadcast_in_dim3A_104, %while3A_55 : vector<2048x1xi1>, vector<2048x1xf32>
      %mul3A_113 = arith.constant 1024 : i32
      %mul3A_114 = arith.muli %while3A_54, %mul3A_113 : i32
      %add3A_115 = vector.broadcast %mul3A_114 : i32 to vector<2048x1xi32>
      %add3A_116 = arith.addi %broadcast_in_dim3A_110, %add3A_115 : vector<2048x1xi32>
      %select_n3A_117 = arith.select %lt3A_111, %add3A_116, %while3A_56 : vector<2048x1xi1>, vector<2048x1xi32>
      scf.yield %select_n3A_112, %select_n3A_117 : vector<2048x1xf32>, vector<2048x1xi32>
    }
    %while3A_43 = arith.constant 1 : i32
    %while3A_44:2 = scf.for %while3A_54 = %while3A_40 to %while3A_36 step %while3A_43 iter_args(%while3A_55 = %while3A_42#0, %while3A_56 = %while3A_42#1) -> (vector<2048x1xf32>, vector<2048x1xi32>)  : i32 {
      %get3A_57 = arith.index_cast %while3A_54 : i32 to index
      %get3A_58 = arith.constant 0 : index
      %get3A_59 = arith.constant 0 : index
      %get3A_60 = vector.load %arg2[%get3A_57, %get3A_58, %get3A_59] : memref<5x16x1024xf32, #tpu.memory_space<vmem>>, vector<1x16x1024xf32>
      %get3A_61 = vector.shape_cast %get3A_60 : vector<1x16x1024xf32> to vector<16x1024xf32>
      %slice3A = vector.extract_strided_slice %get3A_61 {offsets = [0, 0], sizes = [1, 1024], strides = [1, 1]} : vector<16x1024xf32> to vector<1x1024xf32>
      %slice3A_62 = vector.extract_strided_slice %get3A_61 {offsets = [1, 0], sizes = [1, 1024], strides = [1, 1]} : vector<16x1024xf32> to vector<1x1024xf32>
      %slice3A_63 = vector.extract_strided_slice %get3A_61 {offsets = [2, 0], sizes = [1, 1024], strides = [1, 1]} : vector<16x1024xf32> to vector<1x1024xf32>
      %slice3A_64 = vector.extract_strided_slice %get3A_61 {offsets = [3, 0], sizes = [1, 1024], strides = [1, 1]} : vector<16x1024xf32> to vector<1x1024xf32>
      %slice3A_65 = vector.extract_strided_slice %get3A_61 {offsets = [4, 0], sizes = [1, 1024], strides = [1, 1]} : vector<16x1024xf32> to vector<1x1024xf32>
      %slice3A_66 = vector.extract_strided_slice %get3A_61 {offsets = [5, 0], sizes = [1, 1024], strides = [1, 1]} : vector<16x1024xf32> to vector<1x1024xf32>
      %slice3A_67 = vector.extract_strided_slice %get3A_61 {offsets = [6, 0], sizes = [1, 1024], strides = [1, 1]} : vector<16x1024xf32> to vector<1x1024xf32>
      %slice3A_68 = vector.extract_strided_slice %get3A_61 {offsets = [7, 0], sizes = [1, 1024], strides = [1, 1]} : vector<16x1024xf32> to vector<1x1024xf32>
      %slice3A_69 = vector.extract_strided_slice %get3A_61 {offsets = [8, 0], sizes = [1, 1024], strides = [1, 1]} : vector<16x1024xf32> to vector<1x1024xf32>
      %slice3A_70 = vector.extract_strided_slice %get3A_61 {offsets = [9, 0], sizes = [1, 1024], strides = [1, 1]} : vector<16x1024xf32> to vector<1x1024xf32>
      %mul3A_71 = vector.broadcast %slice3A : vector<1x1024xf32> to vector<2048x1024xf32>
      %mul3A_72 = vector.broadcast %sub3A_15 : vector<2048x1xf32> to vector<2048x1024xf32>
      %mul3A_73 = arith.mulf %mul3A_71, %mul3A_72 : vector<2048x1024xf32>
      %mul3A_74 = vector.broadcast %slice3A_62 : vector<1x1024xf32> to vector<2048x1024xf32>
      %mul3A_75 = vector.broadcast %sub3A_28 : vector<2048x1xf32> to vector<2048x1024xf32>
      %mul3A_76 = arith.mulf %mul3A_74, %mul3A_75 : vector<2048x1024xf32>
      %add3A_77 = arith.addf %mul3A_73, %mul3A_76 : vector<2048x1024xf32>
      %add3A_78 = vector.broadcast %slice3A_63 : vector<1x1024xf32> to vector<2048x1024xf32>
      %add3A_79 = arith.addf %add3A_77, %add3A_78 : vector<2048x1024xf32>
      %mul3A_80 = vector.broadcast %slice3A_64 : vector<1x1024xf32> to vector<2048x1024xf32>
      %mul3A_81 = vector.broadcast %sub3A_15 : vector<2048x1xf32> to vector<2048x1024xf32>
      %mul3A_82 = arith.mulf %mul3A_80, %mul3A_81 : vector<2048x1024xf32>
      %mul3A_83 = vector.broadcast %slice3A_65 : vector<1x1024xf32> to vector<2048x1024xf32>
      %mul3A_84 = vector.broadcast %sub3A_28 : vector<2048x1xf32> to vector<2048x1024xf32>
      %mul3A_85 = arith.mulf %mul3A_83, %mul3A_84 : vector<2048x1024xf32>
      %add3A_86 = arith.addf %mul3A_82, %mul3A_85 : vector<2048x1024xf32>
      %add3A_87 = vector.broadcast %slice3A_66 : vector<1x1024xf32> to vector<2048x1024xf32>
      %add3A_88 = arith.addf %add3A_86, %add3A_87 : vector<2048x1024xf32>
      %add3A_89 = arith.addf %add3A_79, %add3A_88 : vector<2048x1024xf32>
      %sub3A_90 = vector.broadcast %slice3A_67 : vector<1x1024xf32> to vector<2048x1024xf32>
      %sub3A_91 = arith.subf %sub3A_90, %add3A_89 : vector<2048x1024xf32>
      %min3A = arith.minimumf %add3A_79, %add3A_88 : vector<2048x1024xf32>
      %min3A_92 = arith.minimumf %min3A, %sub3A_91 : vector<2048x1024xf32>
      %ge3A = arith.constant 0.000000e+00 : f32
      %ge3A_93 = vector.broadcast %ge3A : f32 to vector<2048x1024xf32>
      %ge3A_94 = arith.cmpf oge, %min3A_92, %ge3A_93 : vector<2048x1024xf32>
      %mul3A_95 = vector.broadcast %slice3A_68 : vector<1x1024xf32> to vector<2048x1024xf32>
      %mul3A_96 = arith.mulf %add3A_79, %mul3A_95 : vector<2048x1024xf32>
      %mul3A_97 = vector.broadcast %slice3A_69 : vector<1x1024xf32> to vector<2048x1024xf32>
      %mul3A_98 = arith.mulf %add3A_88, %mul3A_97 : vector<2048x1024xf32>
      %add3A_99 = arith.addf %mul3A_96, %mul3A_98 : vector<2048x1024xf32>
      %add3A_100 = vector.broadcast %slice3A_70 : vector<1x1024xf32> to vector<2048x1024xf32>
      %add3A_101 = arith.addf %add3A_99, %add3A_100 : vector<2048x1024xf32>
      %broadcast_in_dim3A_102 = vector.broadcast %while3A : f32 to vector<2048x1024xf32>
      %select_n3A = arith.select %ge3A_94, %add3A_101, %broadcast_in_dim3A_102 : vector<2048x1024xi1>, vector<2048x1024xf32>
      %reduce_min3A = arith.constant dense<0x7F800000> : vector<2048xf32>
      %reduce_min3A_103 = vector.multi_reduction <minimumf>, %select_n3A, %reduce_min3A [1] : vector<2048x1024xf32> to vector<2048xf32>
      %broadcast_in_dim3A_104 = vector.shape_cast %reduce_min3A_103 : vector<2048xf32> to vector<2048x1xf32>
      %eq3A = vector.broadcast %broadcast_in_dim3A_104 : vector<2048x1xf32> to vector<2048x1024xf32>
      %eq3A_105 = arith.cmpf oeq, %select_n3A, %eq3A : vector<2048x1024xf32>
      %jit3A = arith.constant 1024 : i32
      %broadcast_in_dim3A_106 = vector.broadcast %jit3A : i32 to vector<2048x1024xi32>
      %select_n3A_107 = arith.select %eq3A_105, %iota3A_29, %broadcast_in_dim3A_106 : vector<2048x1024xi1>, vector<2048x1024xi32>
      %reduce_min3A_108 = arith.constant dense<2147483647> : vector<2048xi32>
      %reduce_min3A_109 = vector.multi_reduction <minsi>, %select_n3A_107, %reduce_min3A_108 [1] : vector<2048x1024xi32> to vector<2048xi32>
      %broadcast_in_dim3A_110 = vector.shape_cast %reduce_min3A_109 : vector<2048xi32> to vector<2048x1xi32>
      %lt3A_111 = arith.cmpf olt, %broadcast_in_dim3A_104, %while3A_55 : vector<2048x1xf32>
      %select_n3A_112 = arith.select %lt3A_111, %broadcast_in_dim3A_104, %while3A_55 : vector<2048x1xi1>, vector<2048x1xf32>
      %mul3A_113 = arith.constant 1024 : i32
      %mul3A_114 = arith.muli %while3A_54, %mul3A_113 : i32
      %add3A_115 = vector.broadcast %mul3A_114 : i32 to vector<2048x1xi32>
      %add3A_116 = arith.addi %broadcast_in_dim3A_110, %add3A_115 : vector<2048x1xi32>
      %select_n3A_117 = arith.select %lt3A_111, %add3A_116, %while3A_56 : vector<2048x1xi1>, vector<2048x1xi32>
      scf.yield %select_n3A_112, %select_n3A_117 : vector<2048x1xf32>, vector<2048x1xi32>
    }
    %swap3A = arith.constant 0 : index
    %swap3A_45 = arith.constant 0 : index
    %swap3A_46 = vector.load %arg3[%swap3A, %swap3A_45] : memref<2048x1xi32, #tpu.memory_space<vmem>>, vector<2048x1xi32>
    tpu.vector_store %arg3[%swap3A, %swap3A_45], %while3A_44#1 {strides = array<i32>} : memref<2048x1xi32, #tpu.memory_space<vmem>>, vector<2048x1xi32>,
    %lt3A = arith.constant 0x7F800000 : f32
    %lt3A_47 = vector.broadcast %lt3A : f32 to vector<2048x1xf32>
    %lt3A_48 = arith.cmpf olt, %while3A_44#0, %lt3A_47 : vector<2048x1xf32>
    %convert_element_type3A_49 = arith.extui %lt3A_48 : vector<2048x1xi1> to vector<2048x1xi32>
    %convert_element_type3A_50 = arith.sitofp %convert_element_type3A_49 : vector<2048x1xi32> to vector<2048x1xf32>
    %swap3A_51 = arith.constant 0 : index
    %swap3A_52 = arith.constant 0 : index
    %swap3A_53 = vector.load %arg4[%swap3A_51, %swap3A_52] : memref<2048x1xf32, #tpu.memory_space<vmem>>, vector<2048x1xf32>
    tpu.vector_store %arg4[%swap3A_51, %swap3A_52], %convert_element_type3A_50 {strides = array<i32>} : memref<2048x1xf32, #tpu.memory_space<vmem>>, vector<2048x1xf32>,
    return
  }
  func.func @transform_0(%arg0: i32, %arg1: memref<32xi32, #tpu.memory_space<smem>>) -> (i32, i32, i32) {
    %c0_i32 = arith.constant 0 : i32
    %c0_i32_0 = arith.constant 0 : i32
    %c0_i32_1 = arith.constant 0 : i32
    %c0_i32_2 = arith.constant 0 : i32
    return %c0_i32, %c0_i32_0, %c0_i32_1 : i32, i32, i32
  }
  func.func @transform_1(%arg0: i32, %arg1: memref<32xi32, #tpu.memory_space<smem>>) -> (i32, i32) {
    %c0_i32 = arith.constant 0 : i32
    %c0_i32_0 = arith.constant 0 : i32
    return %arg0, %c0_i32 : i32, i32
  }
  func.func @transform_2(%arg0: i32, %arg1: memref<32xi32, #tpu.memory_space<smem>>) -> (i32, i32) {
    %c0_i32 = arith.constant 0 : i32
    %c0_i32_0 = arith.constant 0 : i32
    return %arg0, %c0_i32 : i32, i32
  }
}

module attributes {stable_mosaic.version = 14 : i64} {
  func.func @_interp_body(%arg0: i32, %arg1: memref<2048x24xf32, #tpu.memory_space<vmem>>, %arg2: memref<2048x1xf32, #tpu.memory_space<vmem>>, %arg3: memref<2048x16xf32, #tpu.memory_space<vmem>>) attributes {dimension_semantics = [#tpu.dimension_semantics<arbitrary>], iteration_bounds = array<i64: 32>, scalar_prefetch = 0 : i64, scratch_operands = 0 : i64, tpu.core_type = #tpu.core_type<tc>, window_params = [{transform_indices = @transform_0, window_bounds = array<i64: 2048, 24>}, {transform_indices = @transform_1, window_bounds = array<i64: 2048, 1>}, {transform_indices = @transform_2, window_bounds = array<i64: 2048, 16>}]} {
    %iota3A = tpu.iota {dimensions = array<i32: 0>} : vector<2048x1xi32>
    %mul3A = arith.constant 2048 : i32
    %mul3A_0 = arith.muli %arg0, %mul3A : i32
    %add3A = vector.broadcast %mul3A_0 : i32 to vector<2048x1xi32>
    %add3A_1 = arith.addi %iota3A, %add3A : vector<2048x1xi32>
    %shift_right_arithmetic3A = arith.constant 8 : i32
    %shift_right_arithmetic3A_2 = vector.broadcast %shift_right_arithmetic3A : i32 to vector<2048x1xi32>
    %shift_right_arithmetic3A_3 = arith.shrsi %add3A_1, %shift_right_arithmetic3A_2 : vector<2048x1xi32>
    %and3A = arith.constant 255 : i32
    %and3A_4 = vector.broadcast %and3A : i32 to vector<2048x1xi32>
    %and3A_5 = arith.andi %add3A_1, %and3A_4 : vector<2048x1xi32>
    %convert_element_type3A = arith.sitofp %shift_right_arithmetic3A_3 : vector<2048x1xi32> to vector<2048x1xf32>
    %add3A_6 = arith.constant 5.000000e-01 : f32
    %add3A_7 = vector.broadcast %add3A_6 : f32 to vector<2048x1xf32>
    %add3A_8 = arith.addf %convert_element_type3A, %add3A_7 : vector<2048x1xf32>
    %mul3A_9 = arith.constant 2.000000e+00 : f32
    %mul3A_10 = vector.broadcast %mul3A_9 : f32 to vector<2048x1xf32>
    %mul3A_11 = arith.mulf %mul3A_10, %add3A_8 : vector<2048x1xf32>
    %div3A = arith.constant 2.560000e+02 : f32
    %div3A_12 = vector.broadcast %div3A : f32 to vector<2048x1xf32>
    %div3A_13 = arith.divf %mul3A_11, %div3A_12 : vector<2048x1xf32>
    %sub3A = arith.constant 1.000000e+00 : f32
    %sub3A_14 = vector.broadcast %sub3A : f32 to vector<2048x1xf32>
    %sub3A_15 = arith.subf %sub3A_14, %div3A_13 : vector<2048x1xf32>
    %convert_element_type3A_16 = arith.sitofp %and3A_5 : vector<2048x1xi32> to vector<2048x1xf32>
    %add3A_17 = arith.constant 5.000000e-01 : f32
    %add3A_18 = vector.broadcast %add3A_17 : f32 to vector<2048x1xf32>
    %add3A_19 = arith.addf %convert_element_type3A_16, %add3A_18 : vector<2048x1xf32>
    %mul3A_20 = arith.constant 2.000000e+00 : f32
    %mul3A_21 = vector.broadcast %mul3A_20 : f32 to vector<2048x1xf32>
    %mul3A_22 = arith.mulf %mul3A_21, %add3A_19 : vector<2048x1xf32>
    %div3A_23 = arith.constant 2.560000e+02 : f32
    %div3A_24 = vector.broadcast %div3A_23 : f32 to vector<2048x1xf32>
    %div3A_25 = arith.divf %mul3A_22, %div3A_24 : vector<2048x1xf32>
    %sub3A_26 = arith.constant 1.000000e+00 : f32
    %sub3A_27 = vector.broadcast %sub3A_26 : f32 to vector<2048x1xf32>
    %sub3A_28 = arith.subf %sub3A_27, %div3A_25 : vector<2048x1xf32>
    %get3A = arith.constant 0 : index
    %get3A_29 = arith.constant 0 : index
    %get3A_30 = vector.load %arg1[%get3A, %get3A_29] : memref<2048x24xf32, #tpu.memory_space<vmem>>, vector<2048x24xf32>
    %slice3A = vector.extract_strided_slice %get3A_30 {offsets = [0, 0], sizes = [2048, 8], strides = [1, 1]} : vector<2048x24xf32> to vector<2048x8xf32>
    %slice3A_31 = vector.extract_strided_slice %get3A_30 {offsets = [0, 8], sizes = [2048, 8], strides = [1, 1]} : vector<2048x24xf32> to vector<2048x8xf32>
    %slice3A_32 = vector.extract_strided_slice %get3A_30 {offsets = [0, 16], sizes = [2048, 8], strides = [1, 1]} : vector<2048x24xf32> to vector<2048x8xf32>
    %get3A_33 = arith.constant 0 : index
    %get3A_34 = arith.constant 0 : index
    %get3A_35 = vector.load %arg2[%get3A_33, %get3A_34] : memref<2048x1xf32, #tpu.memory_space<vmem>>, vector<2048x1xf32>
    %mul3A_36 = vector.broadcast %sub3A_15 : vector<2048x1xf32> to vector<2048x8xf32>
    %mul3A_37 = arith.mulf %slice3A, %mul3A_36 : vector<2048x8xf32>
    %mul3A_38 = vector.broadcast %sub3A_28 : vector<2048x1xf32> to vector<2048x8xf32>
    %mul3A_39 = arith.mulf %slice3A_31, %mul3A_38 : vector<2048x8xf32>
    %add3A_40 = arith.addf %mul3A_37, %mul3A_39 : vector<2048x8xf32>
    %add3A_41 = arith.addf %add3A_40, %slice3A_32 : vector<2048x8xf32>
    %mul3A_42 = vector.broadcast %get3A_35 : vector<2048x1xf32> to vector<2048x8xf32>
    %mul3A_43 = arith.mulf %add3A_41, %mul3A_42 : vector<2048x8xf32>
    %broadcast_in_dim3A = arith.constant 0.000000e+00 : f32
    %broadcast_in_dim3A_44 = vector.broadcast %broadcast_in_dim3A : f32 to vector<2048x7xf32>
    %concatenate3A = tpu.concatenate %mul3A_43, %get3A_35, %broadcast_in_dim3A_44 in 1 : vector<2048x8xf32>, vector<2048x1xf32>, vector<2048x7xf32> -> vector<2048x16xf32>
    %swap3A = arith.constant 0 : index
    %swap3A_45 = arith.constant 0 : index
    %swap3A_46 = vector.load %arg3[%swap3A, %swap3A_45] : memref<2048x16xf32, #tpu.memory_space<vmem>>, vector<2048x16xf32>
    tpu.vector_store %arg3[%swap3A, %swap3A_45], %concatenate3A {strides = array<i32>} : memref<2048x16xf32, #tpu.memory_space<vmem>>, vector<2048x16xf32>,
    return
  }
  func.func @transform_0(%arg0: i32) -> (i32, i32) {
    %c0_i32 = arith.constant 0 : i32
    %c0_i32_0 = arith.constant 0 : i32
    return %arg0, %c0_i32 : i32, i32
  }
  func.func @transform_1(%arg0: i32) -> (i32, i32) {
    %c0_i32 = arith.constant 0 : i32
    %c0_i32_0 = arith.constant 0 : i32
    return %arg0, %c0_i32 : i32, i32
  }
  func.func @transform_2(%arg0: i32) -> (i32, i32) {
    %c0_i32 = arith.constant 0 : i32
    %c0_i32_0 = arith.constant 0 : i32
    return %arg0, %c0_i32 : i32, i32
  }
}

</mosaic_0001>

<sc_bundles>
// kernel: gather_offload_async_start
scs
__scs_entry_jumppad:
0x0: {  	(pc) =	sbr.rel $0x88, $3  }
0x1: {  	(tag) =	ssettag $0x0;
	lr =	simm.s32 $0x1  }
0x2: {  	[smem:$0x3F9E] =	sst lr;
	_ =	strace $0xD0000000  }
0x3: {  	_ = 	snop  }
0x4: {  	_ = 	snop  }
0x5: {  	_ = 	snop  }
0x6: {  	_ = 	snop  }
0x7: {  	_ = 	snop  }
__scs_overlays_trampoline_lowered:
0x8: {  	[smem:$0x3FAD] =	sst s0  }
0x9: {  	[smem:$0x3FAE] =	sst s1  }
0xa: {  	[smem:$0x3FAF] =	sst s2  }
0xb: {  	[smem:$0x3FB0] =	sst s3  }
0xc: {  	[smem:$0x3FB1] =	sst s4  }
0xd: {  	[smem:$0x3FB2] =	sst s5  }
0xe: {  	[smem:$0x3FB3] =	sst s6  }
0xf: {  	[smem:$0x3FB4] =	sst s7  }
0x10: {  	[smem:$0x3FB5] =	sst s8  }
0x11: {  	[smem:$0x3FB6] =	sst s9;
	s0 =	simm.s32 @!p0 $0x0  }
0x12: {  	s1 =	sld [smem:$0x3F9C];
	s0 =	simm.s32 @p0 $0x1  }
0x13: {  	[smem:$0x3FB7] =	sst s0;
	s0 =	simm.s32 @!p1 $0x0  }
0x14: {  	s2 =	sld [smem:$0x3F9B];
	s0 =	simm.s32 @p1 $0x1  }
0x15: {  	[smem:$0x3FB8] =	sst s0;
	s0 =	simm.s32 @!p2 $0x0  }
0x16: {  	s3 =	sld [smem:$0x3FDB];
	s0 =	simm.s32 @p2 $0x1  }
0x17: {  	s4 =	simm.s32 $0x1BF5;
	[smem:$0x3FBA] =	sst s0  }
0x18: {  	s0 =	sld [smem:$0x3F9D];
	_ =	swait.ge [sflag:s4], $0x0  }
0x19: {  	s7 =	sld [smem:$0x3F9E]  }
0x1a: {  	s8 =	sadd.s32 $0xFFFFE003, lr  }
0x1b: {  	s9 =	sadd.s32 $0xFFFFFEF7, lr;
	s5 =	simm.s32 $0xFFFFFFFF;
	p2 =	slt.u32 s8, $0xFFFFF086  }
0x1c: {  	p1 =	slt.u32 s9, $0xF7A;
	s5 =	simm.s32 @!p2 $0x0  }
0x1d: {  	s5 =	simm.s32 @p1 $0x1;
	p0 =	seq.s32 s7, s2  }
0x1e: {  	s7 =	smul.u32 @!p0 $0xF7A, s2;
	p2 =	seq.s32 @!p0 s5, $0x0  }
0x1f: {  	s9 =	smul.u32 $0xF7A, s1;
	s8 =	simm.s32 @!p0 $0x1BF5;
	p2 =	por !p2, p0  }
0x20: {  	[sflag:s8] =	ssyncset.s32 @!p0 $0xFFFFF086;
	s6 =	sadd.s32 @!p0 s3, s7;
	s7 =	simm.s32 @!p0 $0x108  }
0x21: {  	s3 =	sadd.s32 s3, s9;
	s6 =	sadd.s32 @!p0 $0x88, s6;
	s7 =	simm.s32 @p2 $0x1082  }
0x22: {  	[simem:s7], [sflag:s8] =	dma.local @!p0 [hbm:s6], $0xF7A  }
0x23: {  	s9 =	sor.u32 $0xD0000000, s2;
	s6 =	simm.s32 $0x108;
	_ =	swait.ge @!p0 [sflag:s8], $0x0  }
0x24: {  	s3 =	sadd.s32 $0x88, s3;
	s6 =	simm.s32 @!p1 $0x1082;
	[sflag:s4] =	ssyncset.s32 $0xFFFFF086  }
0x25: {  	[simem:s6], [sflag:s4] =	dma.local [hbm:s3], $0xF7A  }
0x26: {  	[smem:$0x3F9E] =	sst s1;
	(tag) =	ssettag s2;
	_ =	strace s9  }
0x27: {  	s1 =	sld [smem:$0x3FAE]  }
0x28: {  	s2 =	sld [smem:$0x3FAF]  }
0x29: {  	s4 =	sld [smem:$0x3FB1]  }
0x2a: {  	p0 =	seq.s32 s5, $0x0;
	s5 =	sld [smem:$0x3FB2]  }
0x2b: {  	s6 =	sld [smem:$0x3FB3]  }
0x2c: {  	s7 =	sld [smem:$0x3FB4]  }
0x2d: {  	s3 =	simm.s32 $0x108;
	s8 =	sld [smem:$0x3FB5]  }
0x2e: {  	s3 =	simm.s32 @!p0 $0x1082;
	s9 =	sld [smem:$0x3FB6]  }
0x2f: {  	lr =	sadd.s32 s0, s3;
	s0 =	sld [smem:$0x3FAD]  }
0x30: {  	s3 =	sld [smem:$0x3FB0]  }
0x31: {  	[smem:$0x3FB9] =	sst s10  }
0x32: {  	s10 =	sld [smem:$0x3FB7];
	_ =	sdelay $0x3  }
0x33: {  	p0 =	seq.s32 s10, $0x1;
	s10 =	sld [smem:$0x3FB9];
	_ =	sdelay $0x3  }
0x34: {  	[smem:$0x3FB9] =	sst s10  }
0x35: {  	s10 =	sld [smem:$0x3FB8];
	_ =	sdelay $0x3  }
0x36: {  	p1 =	seq.s32 s10, $0x1;
	s10 =	sld [smem:$0x3FB9];
	_ =	sdelay $0x3  }
0x37: {  	[smem:$0x3FB9] =	sst s10  }
0x38: {  	s10 =	sld [smem:$0x3FBA]  }
0x39: {  	_ = 	snop;
	(pc) =	sbr.ind lr, $3  }
0x3a: {  	_ = 	snop  }
0x3b: {  	_ = 	snop  }
0x3c: {  	p2 =	seq.s32 s10, $0x1;
	s10 =	sld [smem:$0x3FB9]  }
0x3d: {  	_ =	shalt  }
0x3e: {  	_ =	shalt  }
0x3f: {  	_ =	shalt  }
0x40: {  	_ =	shalt  }
0x41: {  	_ =	shalt  }
0x42: {  	_ =	shalt  }
0x43: {  	_ =	shalt  }
0x44: {  	_ =	shalt  }
0x45: {  	_ =	shalt  }
0x46: {  	_ =	shalt  }
0x47: {  	_ =	shalt  }
0x48: {  	_ =	shalt  }
0x49: {  	_ =	shalt  }
0x4a: {  	_ =	shalt  }
0x4b: {  	_ =	shalt  }
0x4c: {  	_ =	shalt  }
0x4d: {  	_ =	shalt  }
0x4e: {  	_ =	shalt  }
0x4f: {  	_ =	shalt  }
0x50: {  	_ =	shalt  }
0x51: {  	_ =	shalt  }
0x52: {  	_ =	shalt  }
0x53: {  	_ =	shalt  }
0x54: {  	_ =	shalt  }
0x55: {  	_ =	shalt  }
0x56: {  	_ =	shalt  }
0x57: {  	_ =	shalt  }
0x58: {  	_ =	shalt  }
0x59: {  	_ =	shalt  }
0x5a: {  	_ =	shalt  }
0x5b: {  	_ =	shalt  }
0x5c: {  	_ =	shalt  }
0x5d: {  	_ =	shalt  }
0x5e: {  	_ =	shalt  }
0x5f: {  	_ =	shalt  }
0x60: {  	_ =	shalt  }
0x61: {  	_ =	shalt  }
0x62: {  	_ =	shalt  }
0x63: {  	_ =	shalt  }
0x64: {  	_ =	shalt  }
0x65: {  	_ =	shalt  }
0x66: {  	_ =	shalt  }
0x67: {  	_ =	shalt  }
0x68: {  	_ =	shalt  }
0x69: {  	_ =	shalt  }
0x6a: {  	_ =	shalt  }
0x6b: {  	_ =	shalt  }
0x6c: {  	_ =	shalt  }
0x6d: {  	_ =	shalt  }
0x6e: {  	_ =	shalt  }
0x6f: {  	_ =	shalt  }
0x70: {  	_ =	shalt  }
0x71: {  	_ =	shalt  }
0x72: {  	_ =	shalt  }
0x73: {  	_ =	shalt  }
0x74: {  	_ =	shalt  }
0x75: {  	_ =	shalt  }
0x76: {  	_ =	shalt  }
0x77: {  	_ =	shalt  }
0x78: {  	_ =	shalt  }
0x79: {  	_ =	shalt  }
0x7a: {  	_ =	shalt  }
0x7b: {  	_ =	shalt  }
0x7c: {  	_ =	shalt  }
0x7d: {  	_ =	shalt  }
0x7e: {  	_ =	shalt  }
0x7f: {  	_ =	shalt  }
0x80: {  	_ =	shalt  }
0x81: {  	_ =	shalt  }
0x82: {  	_ =	shalt  }
0x83: {  	_ =	shalt  }
0x84: {  	_ =	shalt  }
0x85: {  	_ =	shalt  }
0x86: {  	_ =	shalt  }
0x87: {  	_ =	shalt  }
.Lfunc_end0:
.L_simem_size_0:
called_computation_lowered:
.L_overlay_start_0:
0x88: {  	s0 =	sld [smem:$0x3FD9]  }
0x89: {  	s1 =	sld [smem:$0x3FFE];
	_ =	sdelay $0x3  }
0x8a: {  	s0 =	sadd.s32 s1, s0  }
0x8b: {  	[smem:$0x3FC5] =	sst s0  }
0x8c: {  	_ = 	snop  }
0x8d: {  	(tm) =	ssettm $0x1  }
0x8e: {  	s15 =	sld [smem:$0x3FFB];
	_ =	sdelay $0x3  }
0x8f: {  	_ =	strace s15  }
0x90: {  	s0 =	sld [smem:$0x3FFC];
	_ =	sdelay $0x3  }
0x91: {  	_ =	strace s0  }
0x92: {  	s0 =	sld [smem:$0x3FFD];
	_ =	sdelay $0x3  }
0x93: {  	_ =	strace s0  }
0x94: {  	_ =	strace $0x8FFFFFFF  }
0x95: {  	s16 =	sld [smem:$0x3FDB];
	_ =	sdelay $0x1  }
0x96: {  	s17 =	simm.s32 $_scs_section_size  }
0x97: {  	s2 =	simm.s32 $_size__tile_overlayer_lowered;
	s3 =	simm.s32 $_tile_overlayer_lowered  }
0x98: {  	s20 =	simm.s32 $0x1BFF;
	s19 =	sshll.u32 s3, $0x1;
	s0 =	sadd.s32 s17, s16  }
0x99: {  	s4 =	simm.s32 $0x0;
	s18 =	sshll.u32 s2, $0x1;
	s2 =	sadd.s32 s19, s0  }
0x9a: {  	[timem:s4], [sflag:s20] =	dma.local [hbm:s2], s18  }
0x9b: {  	_ =	swait.ge [sflag:s20], s18  }
0x9c: {  	s1 =	ssub.s32 $0x0, s18;
	[sflag:s20] =	ssyncset.done $0x0  }
0x9d: {  	[sflag:s20] =	ssyncadd.s32 s1;
	_ =	sdelay $0x1  }
0x9e: {  	s21 =	simm.s32 $0x1B8B  }
0x9f: {  	_ =	swait.ge [sflag:s21], $0x1  }
0xa0: {  	[sflag:s21] =	ssyncset.done $0x0  }
0xa1: {  	s23 =	simm.s32 $0x1B8E;
	s22 =	sld [smem:$0x3FFE];
	[sflag:s21] =	ssyncadd.s32 $0xFFFFFFFF  }
0xa2: {  	s24 =	simm.s32 $execute0_lowered;
	[smem:$0x3FD2] =	sst s23  }
0xa3: {  	s2 =	sshll.u32 s24, $0x1;
	_ =	strace $0x80000046;
	[dreg:$0x1] =	wrdreg $0xFFFFFFFF  }
0xa4: {  	s25 =	simm.s32 $_size_execute0_lowered;
	s0 =	sadd.s32 s0, s2;
	[dreg:$0x0] =	wrdreg $0x0  }
0xa5: {  	s2 =	sshll.u32 s25, $0x1;
	[dreg:$0x2] =	wrdreg s0  }
0xa6: {  	[dreg:$0x3] =	wrdreg s2  }
0xa7: {  	[dreg:$0x4] =	wrdreg $0xC0  }
0xa8: {  	_ =	task [dreg:s4], $0x5FFFF  }
0xa9: {  	[dreg:$0x1] =	wrdreg $0xFFFFFFFF  }
0xaa: {  	[dreg:$0x0] =	wrdreg $0x60  }
0xab: {  	[dreg:$0x2] =	wrdreg s22  }
0xac: {  	[dreg:$0x3] =	wrdreg $0x9  }
0xad: {  	_ =	task.clear_ibuf [dreg:s4], $0x4FFFF;
	_ =	strace $0x90000046  }
0xae: {  	s26 =	simm.s32 $0x9;
	_ =	strace $0x80000048  }
0xaf: {  	_ =	swait.ge [sflag:s26], $0x1  }
0xb0: {  	[sflag:s26] =	ssyncadd.s32 $0xFFFFFFFF  }
0xb1: {  	_ =	strace $0x90000048  }
0xb2: {  	_ =	sfence  }
0xb3: {  	s28 =	sld [smem:$0x0];
	_ =	sdelay $0x1  }
0xb4: {  	s29 =	srdreg.scid  }
0xb5: {  	s30 =	sshll.u32 s29, $0xD;
	s31 =	sshrl.u32 s29, $0x2  }
0xb6: {  	s1 =	sand.u32 $0x1, s29;
	s2 =	sand.u32 $0x4000, s30;
	s0 =	sadd.s32 s31, s28  }
0xb7: {  	s1 =	sor.u32 s2, s1;
	s0 =	sshll.u32 s0, $0x11  }
0xb8: {  	s0 =	sor.u32 s0, s1  }
0xb9: {  	s0 =	sadd.s32 $0x8F2B, s0  }
0xba: {  	[sflag:s0] =	ssyncadd.remote.s32 $0x1  }
0xbb: {  	_ =	sfence.sel $0xFFFF  }
0xbc: {  	[dreg:$0x0] =	wrdreg $0xFFFFFFFF;
	(pc) =	sbr.abs _section_cstart, $3  }
0xbd: {  	[dreg:$0x1] =	wrdreg $0xFFFFFFFF  }
0xbe: {  	_ =	task.clear_ibuf [dreg:s4], $0x2FFFF;
	_ =	strace $0x9FFFFFFF  }
0xbf: {  	(tm) =	ssettm $0x7FFFFFFF  }
tec
execute0_lowered:
.L_overlay_start_1:
0x0: {  	(tag) =	ssettag $0x1  }
0x1: {  	s2 =	rddreg [dreg:$0x0]  }
0x2: {  	s0 =	rddreg [dreg:$0x1];
	s1 =	stileid.u32;
	_ =	strace $0x80000047  }
0x3: {  	s6 =	simm.s32 $0x1;
	s8 =	simm.s32 $0x2;
	s30 =	simm.s32 $0x3  }
0x4: {  	s12 =	simm.s32 $0x0;
	s9 =	simm.s32 $0x0;
	s4 =	sshll.u32 s1, $0x4  }
0x5: {  	s10 =	simm.s32 $0x0;
	s3 =	sadd.s32 $0x600, s2;
	s7 =	ssub.s32 $0x1380, s4  }
0x6: {  	s5 =	sadd.s32 $0xA00, s2;
	[sflag:s6] =	ssyncpa.u1 $0x0;
	s6 =	sshrl.u32 s7, $0x8  }
0x7: {  	[sflag:s8] =	ssyncpa.u1 $0x0;
	s11 =	smov.u32 s4;
	s31 =	sshll.u32 s6, $0x4  }
0x8: {  	[sflag:s30] =	ssyncpa.u1 $0x0;
	s7 =	sadd.s32 $0x2, s6;
	s8 =	sadd.s32 $0x30, s31  }
.LBB2_1:
0x9: {  	p0 =	sgt.u32 s10, s6  }
0xa: {  	s13 =	sxor.u32 @!p0 $0xFFFFFFFF, s9;
	s14 =	sshrl.u32 @!p0 s11, $0x3  }
0xb: {  	s15 =	sand.u32 @!p0 $0x7, s11;
	s13 =	sand.u32 @!p0 $0x10, s13;
	s14 =	sadd.s32 @!p0 s3, s14  }
0xc: {  	[tilespmem:s13], [sflag:$0x2] =	stream.linear.gather @!p0 [hbm4b:s14+s15], $0x10, $0x38;
	[tilespmem:$0x40] =	vst v63  }
0xd: {  	p0 =	seq.s32 s9, $0x0  }
0xe: {  	p1 =	sge.u32 @!p0 s10, s7  }
0xf: {  	p0 =	por p1, p0  }
0x10: {  	s13 =	simm.s32 @!p0 $0x2  }
0x11: {  	_ =	swait.ge @!p0 [sflag:s13], $0x10  }
0x12: {  	[sflag:s13] =	ssyncset.done @!p0 $0x0  }
0x13: {  	[sflag:s13] =	ssyncadd.s32 @!p0 $0xFFFFFFF0;
	s13 =	sand.u32 @!p0 $0x10, s9  }
0x14: {  	(ifvalue) =	ssetifvalue @!p0 $0x7FFFFFFF;
	v0 =	vld.msk @!p0 [tilespmem:s13+$0x0 ss:$0x1], $0xffff;
	_ =	sdelay $0x4  }
0x15: {  	vm0 =	vgt.s32 @!p0 v0, $0x0  }
0x16: {  	v0 =	vnsel @!p0 vm0, $0x0, v0  }
0x17: {  	v0 =	vmin.u32 @!p0 v0, $0x1387;
	_ =	sdelay $0x3  }
0x18: {  	s14 =	simm.s32 @!p0 $0x0;
	s13 =	sor.u32 @!p0 $0x20, s13;
	(ifvalue) =	ssetifvalue @!p0 $0x7FFFFFFF;
	vm0 =	vmmov @!p0 $0xffff  }
0x19: {  	[tilespmem:s13], [sflag:$0x1] =	stream.indirect_vreg.gather @!p0 [hbm4b:s2+s14], $0x1, v0, vm0, $0x4038;
	[tilespmem:$0x40] =	vst v63  }
0x1a: {  	s14 =	simm.s32 @!p0 $0x1  }
0x1b: {  	_ =	swait.ge @!p0 [sflag:s14], $0x10  }
0x1c: {  	s15 =	sshrl.u32 @!p0 s12, $0x3;
	[sflag:s14] =	ssyncset.done @!p0 $0x0  }
0x1d: {  	s12 =	sand.u32 @!p0 $0x7, s12;
	[sflag:s14] =	ssyncadd.s32 @!p0 $0xFFFFFFF0;
	s14 =	sadd.s32 @!p0 s5, s15  }
0x1e: {  	[hbm4b:s14+s12] =	stream.linear.scatter @!p0 [tilespmem:s13], [sflag:$0x3], $0x10, $0x38;
	[tilespmem:$0x40] =	vst v63  }
0x1f: {  	s14 =	sadd.s32 $0x100, s11  }
0x20: {  	s9 =	sadd.s32 $0x10, s9;
	p1 =	sgt.s32 s14, $0x1387  }
0x21: {  	s14 =	smov.u32 @p1 s4;
	p1 =	sne.s32 s8, s9  }
.Ltmp0:
0x22: {  	p0 =	slt.u32 s10, $0x2;
	(pc) =	sbr.rel @p1 .LBB2_1-.Ltmp0, $4  }
0x23: {  	s13 =	simm.s32 @!p0 $0x3  }
0x24: {  	_ =	swait.ge @!p0 [sflag:s13], $0x10  }
0x25: {  	s12 =	smov.u32 s11;
	[sflag:s13] =	ssyncset.done @!p0 $0x0  }
0x26: {  	s10 =	sadd.s32 $0x1, s10;
	s11 =	smov.u32 s14;
	[sflag:s13] =	ssyncadd.s32 @!p0 $0xFFFFFFF0  }
0x27: {  	_ =	sfence.sel $0x180000  }
0x28: {  	s2 =	simm.s32 $0x2;
	[bflag:$0x0] =	sbarrier.arrive $0xFFFF  }
0x29: {  	s30 =	simm.s32 $0x3;
	[sflag:s2] =	ssyncpa.u1 $0x1  }
0x2a: {  	s31 =	simm.s32 $0x1;
	[sflag:s30] =	ssyncpa.u1 $0x1  }
0x2b: {  	[sflag:s31] =	ssyncpa.u1 $0x1  }
0x2c: {  	p0 =	sne.s32 s1, $0x0;
	_ =	strace $0x90000047  }
0x2d: {  	s0 =	sadd.s32 @!p0 $0x100000, s0;
	[bflag:$0x2] =	sbarrier.arrive $0xFFFF  }
0x2e: {  	[sflag:s0] =	ssyncadd.tile.s32 @!p0 $0x1;
	_ =	shalt  }
.Lfunc_end2:
_tile_overlayer_lowered:
.L_overlay_start_2:
0x2f: {  	(tag) =	ssettag $0x2  }
0x30: {  	s0 =	rddreg [dreg:$0x0];
	s2 =	stileid.u32  }
0x31: {  	s1 =	rddreg [dreg:$0x1];
	p0 =	sne.s32 s2, $0x0  }
0x32: {  	s3 =	rddreg [dreg:$0x2];
	[bflag:$0x3] =	sbarrier.arrive $0xFFFF;
	s2 =	simm.s32 @!p0 $0x1C01  }
0x33: {  	[timem:s3], [sflag:s2] =	dma.local @!p0 [hbm:s0], s1  }
0x34: {  	s0 =	simm.s32 @!p0 $0x1  }
0x35: {  	_ =	swait.ge @!p0 [sflag:s0], s1  }
0x36: {  	s1 =	ssub.s32 @!p0 $0x0, s1;
	[sflag:s0] =	ssyncset.done @!p0 $0x0  }
0x37: {  	[sflag:s0] =	ssyncadd.s32 @!p0 s1  }
0x38: {  	[bflag:$0x3] =	sbarrier.arrive $0xFFFF  }
0x39: {  	_ =	shalt  }

// kernel: kernel.5.cloned.1.call-start
scs
__scs_entry_jumppad:
0x0: {  	(pc) =	sbr.rel $0x88, $3  }
0x1: {  	(tag) =	ssettag $0x0;
	lr =	simm.s32 $0x1  }
0x2: {  	[smem:$0x3F9E] =	sst lr;
	_ =	strace $0xD0000000  }
0x3: {  	_ = 	snop  }
0x4: {  	_ = 	snop  }
0x5: {  	_ = 	snop  }
0x6: {  	_ = 	snop  }
0x7: {  	_ = 	snop  }
__scs_overlays_trampoline_lowered:
0x8: {  	[smem:$0x3FAD] =	sst s0  }
0x9: {  	[smem:$0x3FAE] =	sst s1  }
0xa: {  	[smem:$0x3FAF] =	sst s2  }
0xb: {  	[smem:$0x3FB0] =	sst s3  }
0xc: {  	[smem:$0x3FB1] =	sst s4  }
0xd: {  	[smem:$0x3FB2] =	sst s5  }
0xe: {  	[smem:$0x3FB3] =	sst s6  }
0xf: {  	[smem:$0x3FB4] =	sst s7  }
0x10: {  	[smem:$0x3FB5] =	sst s8  }
0x11: {  	[smem:$0x3FB6] =	sst s9;
	s0 =	simm.s32 @!p0 $0x0  }
0x12: {  	s1 =	sld [smem:$0x3F9C];
	s0 =	simm.s32 @p0 $0x1  }
0x13: {  	[smem:$0x3FB7] =	sst s0;
	s0 =	simm.s32 @!p1 $0x0  }
0x14: {  	s2 =	sld [smem:$0x3F9B];
	s0 =	simm.s32 @p1 $0x1  }
0x15: {  	[smem:$0x3FB8] =	sst s0;
	s0 =	simm.s32 @!p2 $0x0  }
0x16: {  	s3 =	sld [smem:$0x3FDB];
	s0 =	simm.s32 @p2 $0x1  }
0x17: {  	s4 =	simm.s32 $0x1BF5;
	[smem:$0x3FBA] =	sst s0  }
0x18: {  	s0 =	sld [smem:$0x3F9D];
	_ =	swait.ge [sflag:s4], $0x0  }
0x19: {  	s7 =	sld [smem:$0x3F9E]  }
0x1a: {  	s8 =	sadd.s32 $0xFFFFE003, lr  }
0x1b: {  	s9 =	sadd.s32 $0xFFFFFEF7, lr;
	s5 =	simm.s32 $0xFFFFFFFF;
	p2 =	slt.u32 s8, $0xFFFFF086  }
0x1c: {  	p1 =	slt.u32 s9, $0xF7A;
	s5 =	simm.s32 @!p2 $0x0  }
0x1d: {  	s5 =	simm.s32 @p1 $0x1;
	p0 =	seq.s32 s7, s2  }
0x1e: {  	s7 =	smul.u32 @!p0 $0xF7A, s2;
	p2 =	seq.s32 @!p0 s5, $0x0  }
0x1f: {  	s9 =	smul.u32 $0xF7A, s1;
	s8 =	simm.s32 @!p0 $0x1BF5;
	p2 =	por !p2, p0  }
0x20: {  	[sflag:s8] =	ssyncset.s32 @!p0 $0xFFFFF086;
	s6 =	sadd.s32 @!p0 s3, s7;
	s7 =	simm.s32 @!p0 $0x108  }
0x21: {  	s3 =	sadd.s32 s3, s9;
	s6 =	sadd.s32 @!p0 $0x88, s6;
	s7 =	simm.s32 @p2 $0x1082  }
0x22: {  	[simem:s7], [sflag:s8] =	dma.local @!p0 [hbm:s6], $0xF7A  }
0x23: {  	s9 =	sor.u32 $0xD0000000, s2;
	s6 =	simm.s32 $0x108;
	_ =	swait.ge @!p0 [sflag:s8], $0x0  }
0x24: {  	s3 =	sadd.s32 $0x88, s3;
	s6 =	simm.s32 @!p1 $0x1082;
	[sflag:s4] =	ssyncset.s32 $0xFFFFF086  }
0x25: {  	[simem:s6], [sflag:s4] =	dma.local [hbm:s3], $0xF7A  }
0x26: {  	[smem:$0x3F9E] =	sst s1;
	(tag) =	ssettag s2;
	_ =	strace s9  }
0x27: {  	s1 =	sld [smem:$0x3FAE]  }
0x28: {  	s2 =	sld [smem:$0x3FAF]  }
0x29: {  	s4 =	sld [smem:$0x3FB1]  }
0x2a: {  	p0 =	seq.s32 s5, $0x0;
	s5 =	sld [smem:$0x3FB2]  }
0x2b: {  	s6 =	sld [smem:$0x3FB3]  }
0x2c: {  	s7 =	sld [smem:$0x3FB4]  }
0x2d: {  	s3 =	simm.s32 $0x108;
	s8 =	sld [smem:$0x3FB5]  }
0x2e: {  	s3 =	simm.s32 @!p0 $0x1082;
	s9 =	sld [smem:$0x3FB6]  }
0x2f: {  	lr =	sadd.s32 s0, s3;
	s0 =	sld [smem:$0x3FAD]  }
0x30: {  	s3 =	sld [smem:$0x3FB0]  }
0x31: {  	[smem:$0x3FB9] =	sst s10  }
0x32: {  	s10 =	sld [smem:$0x3FB7];
	_ =	sdelay $0x3  }
0x33: {  	p0 =	seq.s32 s10, $0x1;
	s10 =	sld [smem:$0x3FB9];
	_ =	sdelay $0x3  }
0x34: {  	[smem:$0x3FB9] =	sst s10  }
0x35: {  	s10 =	sld [smem:$0x3FB8];
	_ =	sdelay $0x3  }
0x36: {  	p1 =	seq.s32 s10, $0x1;
	s10 =	sld [smem:$0x3FB9];
	_ =	sdelay $0x3  }
0x37: {  	[smem:$0x3FB9] =	sst s10  }
0x38: {  	s10 =	sld [smem:$0x3FBA]  }
0x39: {  	_ = 	snop;
	(pc) =	sbr.ind lr, $3  }
0x3a: {  	_ = 	snop  }
0x3b: {  	_ = 	snop  }
0x3c: {  	p2 =	seq.s32 s10, $0x1;
	s10 =	sld [smem:$0x3FB9]  }
0x3d: {  	_ =	shalt  }
0x3e: {  	_ =	shalt  }
0x3f: {  	_ =	shalt  }
0x40: {  	_ =	shalt  }
0x41: {  	_ =	shalt  }
0x42: {  	_ =	shalt  }
0x43: {  	_ =	shalt  }
0x44: {  	_ =	shalt  }
0x45: {  	_ =	shalt  }
0x46: {  	_ =	shalt  }
0x47: {  	_ =	shalt  }
0x48: {  	_ =	shalt  }
0x49: {  	_ =	shalt  }
0x4a: {  	_ =	shalt  }
0x4b: {  	_ =	shalt  }
0x4c: {  	_ =	shalt  }
0x4d: {  	_ =	shalt  }
0x4e: {  	_ =	shalt  }
0x4f: {  	_ =	shalt  }
0x50: {  	_ =	shalt  }
0x51: {  	_ =	shalt  }
0x52: {  	_ =	shalt  }
0x53: {  	_ =	shalt  }
0x54: {  	_ =	shalt  }
0x55: {  	_ =	shalt  }
0x56: {  	_ =	shalt  }
0x57: {  	_ =	shalt  }
0x58: {  	_ =	shalt  }
0x59: {  	_ =	shalt  }
0x5a: {  	_ =	shalt  }
0x5b: {  	_ =	shalt  }
0x5c: {  	_ =	shalt  }
0x5d: {  	_ =	shalt  }
0x5e: {  	_ =	shalt  }
0x5f: {  	_ =	shalt  }
0x60: {  	_ =	shalt  }
0x61: {  	_ =	shalt  }
0x62: {  	_ =	shalt  }
0x63: {  	_ =	shalt  }
0x64: {  	_ =	shalt  }
0x65: {  	_ =	shalt  }
0x66: {  	_ =	shalt  }
0x67: {  	_ =	shalt  }
0x68: {  	_ =	shalt  }
0x69: {  	_ =	shalt  }
0x6a: {  	_ =	shalt  }
0x6b: {  	_ =	shalt  }
0x6c: {  	_ =	shalt  }
0x6d: {  	_ =	shalt  }
0x6e: {  	_ =	shalt  }
0x6f: {  	_ =	shalt  }
0x70: {  	_ =	shalt  }
0x71: {  	_ =	shalt  }
0x72: {  	_ =	shalt  }
0x73: {  	_ =	shalt  }
0x74: {  	_ =	shalt  }
0x75: {  	_ =	shalt  }
0x76: {  	_ =	shalt  }
0x77: {  	_ =	shalt  }
0x78: {  	_ =	shalt  }
0x79: {  	_ =	shalt  }
0x7a: {  	_ =	shalt  }
0x7b: {  	_ =	shalt  }
0x7c: {  	_ =	shalt  }
0x7d: {  	_ =	shalt  }
0x7e: {  	_ =	shalt  }
0x7f: {  	_ =	shalt  }
0x80: {  	_ =	shalt  }
0x81: {  	_ =	shalt  }
0x82: {  	_ =	shalt  }
0x83: {  	_ =	shalt  }
0x84: {  	_ =	shalt  }
0x85: {  	_ =	shalt  }
0x86: {  	_ =	shalt  }
0x87: {  	_ =	shalt  }
.Lfunc_end0:
.L_simem_size_0:
called_computation.1_lowered:
.L_overlay_start_0:
0x88: {  	s2 =	sld [smem:$0x3FD9]  }
0x89: {  	s3 =	sld [smem:$0x3FFE];
	_ =	sdelay $0x1  }
0x8a: {  	s1 =	srdreg.scid  }
0x8b: {  	s0 =	sand.u32 $0x1, s1  }
0x8c: {  	s17 =	sshll.u32 s0, $0xA;
	s2 =	sadd.s32 s3, s2  }
0x8d: {  	s2 =	sadd.s32 s2, s17  }
0x8e: {  	[smem:$0x3FC5] =	sst s2  }
0x8f: {  	_ = 	snop  }
0x90: {  	s2 =	sld [smem:$0x3FD0];
	(tm) =	ssettm $0x1  }
0x91: {  	s18 =	sld [smem:$0x3FFB];
	_ =	sdelay $0x3  }
0x92: {  	_ =	strace s18  }
0x93: {  	s3 =	sld [smem:$0x3FFC];
	_ =	sdelay $0x3  }
0x94: {  	_ =	strace s3  }
0x95: {  	s3 =	sld [smem:$0x3FFD];
	_ =	sdelay $0x3  }
0x96: {  	_ =	strace s3  }
0x97: {  	_ =	strace $0x8FFFFFFF  }
0x98: {  	s19 =	sld [smem:$0x3FDB];
	_ =	sdelay $0x1  }
0x99: {  	s4 =	simm.s32 $_scs_section_size  }
0x9a: {  	s5 =	simm.s32 $_size__tile_overlayer_lowered;
	s6 =	simm.s32 $_tile_overlayer_lowered  }
0x9b: {  	s22 =	simm.s32 $0x1BFF;
	s21 =	sshll.u32 s6, $0x1;
	s3 =	sadd.s32 s4, s19  }
0x9c: {  	s7 =	simm.s32 $0x0;
	s20 =	sshll.u32 s5, $0x1;
	s5 =	sadd.s32 s21, s3  }
0x9d: {  	[timem:s7], [sflag:s22] =	dma.local [hbm:s5], s20  }
0x9e: {  	_ =	swait.ge [sflag:s22], s20  }
0x9f: {  	s4 =	ssub.s32 $0x0, s20;
	[sflag:s22] =	ssyncset.done $0x0  }
0xa0: {  	[sflag:s22] =	ssyncadd.s32 s4;
	_ =	sdelay $0x1  }
0xa1: {  	s23 =	simm.s32 $0x1B8B  }
0xa2: {  	_ =	swait.ge [sflag:s23], $0x1  }
0xa3: {  	[sflag:s23] =	ssyncset.done $0x0  }
0xa4: {  	s25 =	simm.s32 $0x1B8E;
	s24 =	sld [smem:$0x3FFE];
	[sflag:s23] =	ssyncadd.s32 $0xFFFFFFFF  }
0xa5: {  	s26 =	simm.s32 $execute0_lowered;
	[smem:$0x3FD2] =	sst s25  }
0xa6: {  	s5 =	sshll.u32 s26, $0x1;
	_ =	strace $0x80000049;
	[dreg:$0x1] =	wrdreg $0xFFFFFFFF  }
0xa7: {  	s28 =	simm.s32 $_size_execute0_lowered;
	s3 =	sadd.s32 s3, s5;
	[dreg:$0x0] =	wrdreg $0x0  }
0xa8: {  	s5 =	sshll.u32 s28, $0x1;
	[dreg:$0x2] =	wrdreg s3  }
0xa9: {  	[dreg:$0x3] =	wrdreg s5  }
0xaa: {  	[dreg:$0x4] =	wrdreg $0xC0  }
0xab: {  	_ =	task [dreg:s7], $0x5FFFF  }
0xac: {  	[dreg:$0x1] =	wrdreg $0xFFFFFFFF  }
0xad: {  	[dreg:$0x0] =	wrdreg $0x60  }
0xae: {  	[dreg:$0x2] =	wrdreg s2  }
0xaf: {  	[dreg:$0x3] =	wrdreg s24  }
0xb0: {  	[dreg:$0x4] =	wrdreg $0x9  }
0xb1: {  	_ =	task.clear_ibuf [dreg:s7], $0x5FFFF;
	_ =	strace $0x90000049  }
0xb2: {  	s29 =	simm.s32 $0x9;
	_ =	strace $0x8000004B  }
0xb3: {  	_ =	swait.ge [sflag:s29], $0x1  }
0xb4: {  	[sflag:s29] =	ssyncadd.s32 $0xFFFFFFFF  }
0xb5: {  	_ =	strace $0x9000004B  }
0xb6: {  	_ =	sfence  }
0xb7: {  	s30 =	sld [smem:$0x0];
	_ =	sdelay $0x2  }
0xb8: {  	s31 =	sshll.u32 s1, $0xD;
	s1 =	sshrl.u32 s1, $0x2  }
0xb9: {  	s3 =	sand.u32 $0x4000, s31;
	s1 =	sadd.s32 s1, s30  }
0xba: {  	s0 =	sor.u32 s3, s0;
	s1 =	sshll.u32 s1, $0x11  }
0xbb: {  	s0 =	sor.u32 s1, s0  }
0xbc: {  	s0 =	sadd.s32 $0x8F2B, s0  }
0xbd: {  	[sflag:s0] =	ssyncadd.remote.s32 $0x1  }
0xbe: {  	_ =	sfence.sel $0xFFFF  }
0xbf: {  	[dreg:$0x0] =	wrdreg $0xFFFFFFFF;
	(pc) =	sbr.abs _section_cstart, $3  }
0xc0: {  	[dreg:$0x1] =	wrdreg $0xFFFFFFFF  }
0xc1: {  	_ =	task.clear_ibuf [dreg:s7], $0x2FFFF;
	_ =	strace $0x9FFFFFFF  }
0xc2: {  	(tm) =	ssettm $0x7FFFFFFF  }
0xc3: {  	_ =	shalt  }
tec
execute0_lowered:
.L_overlay_start_1:
0x0: {  	(tag) =	ssettag $0x1  }
0x1: {  	s1 =	rddreg [dreg:$0x0]  }
0x2: {  	s5 =	rddreg [dreg:$0x1]  }
0x3: {  	s0 =	rddreg [dreg:$0x2]  }
0x4: {  	s3 =	simm.s32 $0x0;
	s4 =	srdreg.scid;
	s2 =	stileid.u32  }
0x5: {  	s10 =	simm.s32 $0x0;
	[smem:$0x7FF] =	sst s3;
	s4 =	sand.u32 $0x1, s4  }
0x6: {  	s6 =	sshll.u32 s2, $0xC;
	s9 =	smul.u32 $0x3000, s2;
	_ =	strace $0x8000004A  }
0x7: {  	s7 =	sshll.u32 s4, $0xB;
	s8 =	ssub.s32 $0x2, s4;
	s30 =	smul.u32 $0x1800, s4  }
0x8: {  	s6 =	sor.u32 s7, s6;
	s29 =	sshrl.u32 s8, $0x1;
	s31 =	sadd.s32 s9, s5  }
0x9: {  	s9 =	simm.s32 $0x1;
	s6 =	sshrl.u32 s6, $0x3;
	s7 =	ssub.s32 s8, s29  }
0xa: {  	s8 =	simm.s32 $0x80;
	s6 =	sadd.s32 s6, s5;
	s4 =	smax.u32 s7, $0x1  }
0xb: {  	s7 =	simm.s32 $0x2;
	s5 =	sadd.s32 $0x200000, s6;
	s6 =	sadd.s32 s30, s31  }
.LBB2_1:
0xc: {  	s11 =	sadd.s32 $0x0, s5  }
0xd: {  	[tilespmem:s3], [sflag:$0x2] =	stream.linear.gather [hbm4b:s11+s3], $0x80, $0x38;
	[tilespmem:$0xC80] =	vst v63  }
0xe: {  	_ =	swait.ge [sflag:s7], $0x80  }
0xf: {  	[sflag:s7] =	ssyncset.done $0x0  }
0x10: {  	[sflag:s7] =	ssyncadd.s32 $0xFFFFFF80  }
0x11: {  	[tilespmem:s8], [sflag:$0x1] =	stream.indirect.gather [hbm4b:s1+s8], $0x18, s3, s8, $0xb8;
	[tilespmem:$0xC80] =	vst v63  }
0x12: {  	_ =	swait.ge [sflag:s9], $0xC00  }
0x13: {  	[sflag:s9] =	ssyncset.done $0x0  }
0x14: {  	[sflag:s9] =	ssyncadd.s32 $0xFFFFF400  }
0x15: {  	[hbm4b:s6+s3] =	stream.linear.scatter [tilespmem:s8], [sflag:$0x2], $0xC00, $0x38;
	[tilespmem:$0xC80] =	vst v63  }
0x16: {  	s12 =	simm.s32 $0x10;
	_ =	swait.ge [sflag:s7], $0xC00  }
0x17: {  	s13 =	simm.s32 $0x20;
	s11 =	sadd.s32 $0x180, s6;
	[sflag:s7] =	ssyncset.done $0x0  }
.LBB2_2:
0x18: {  	s14 =	sadd.s32 s12, s5  }
0x19: {  	[sflag:s7] =	ssyncadd.s32 $0xFFFFF400;
	s12 =	smov.u32 s13;
	s15 =	sadd.s32 $0x10, s13  }
0x1a: {  	[tilespmem:s3], [sflag:$0x2] =	stream.linear.gather [hbm4b:s14+s3], $0x80, $0x38;
	[tilespmem:$0xC80] =	vst v63  }
0x1b: {  	p0 =	sne.s32 s13, $0xF0;
	_ =	swait.ge [sflag:s7], $0x80  }
0x1c: {  	[sflag:s7] =	ssyncset.done $0x0  }
0x1d: {  	[sflag:s7] =	ssyncadd.s32 $0xFFFFFF80  }
0x1e: {  	[tilespmem:s8], [sflag:$0x1] =	stream.indirect.gather [hbm4b:s1+s8], $0x18, s3, s8, $0xb8;
	[tilespmem:$0xC80] =	vst v63  }
0x1f: {  	_ =	swait.ge [sflag:s9], $0xC00  }
.Ltmp0:
0x20: {  	[sflag:s9] =	ssyncset.done $0x0;
	(pc) =	sbr.rel @p0 .LBB2_2-.Ltmp0, $4  }
0x21: {  	[sflag:s9] =	ssyncadd.s32 $0xFFFFF400  }
0x22: {  	[hbm4b:s11+s3] =	stream.linear.scatter [tilespmem:s8], [sflag:$0x2], $0xC00, $0x38;
	[tilespmem:$0xC80] =	vst v63  }
0x23: {  	_ =	swait.ge [sflag:s7], $0xC00  }
0x24: {  	s13 =	smov.u32 s15;
	s11 =	sadd.s32 $0x180, s11;
	[sflag:s7] =	ssyncset.done $0x0  }
0x25: {  	s12 =	sadd.s32 s12, s5;
	[sflag:s7] =	ssyncadd.s32 $0xFFFFF400  }
0x26: {  	[tilespmem:s3], [sflag:$0x2] =	stream.linear.gather [hbm4b:s12+s3], $0x80, $0x38;
	[tilespmem:$0xC80] =	vst v63  }
0x27: {  	_ =	swait.ge [sflag:s7], $0x80  }
0x28: {  	[sflag:s7] =	ssyncset.done $0x0  }
0x29: {  	[sflag:s7] =	ssyncadd.s32 $0xFFFFFF80  }
0x2a: {  	[tilespmem:s8], [sflag:$0x1] =	stream.indirect.gather [hbm4b:s1+s8], $0x18, s3, s8, $0xb8;
	[tilespmem:$0xC80] =	vst v63  }
0x2b: {  	s10 =	sadd.s32 $0x1, s10;
	_ =	swait.ge [sflag:s9], $0xC00  }
0x2c: {  	p0 =	sne.s32 s10, s4;
	[sflag:s9] =	ssyncset.done $0x0  }
.Ltmp1:
0x2d: {  	[sflag:s9] =	ssyncadd.s32 $0xFFFFF400;
	(pc) =	sbr.rel @p0 .LBB2_1-.Ltmp1, $4  }
0x2e: {  	[hbm4b:s11+s3] =	stream.linear.scatter [tilespmem:s8], [sflag:$0x2], $0xC00, $0x38;
	[tilespmem:$0xC80] =	vst v63  }
0x2f: {  	_ =	swait.ge [sflag:s7], $0xC00  }
0x30: {  	[sflag:s7] =	ssyncset.done $0x0  }
0x31: {  	[sflag:s7] =	ssyncadd.s32 $0xFFFFF400  }
0x32: {  	_ =	sfence.sel $0x180000  }
0x33: {  	[bflag:$0x0] =	sbarrier.arrive $0xFFFF  }
0x34: {  	p0 =	sne.s32 s2, $0x0;
	_ =	strace $0x9000004A  }
0x35: {  	s0 =	sadd.s32 @!p0 $0x100000, s0;
	[bflag:$0x2] =	sbarrier.arrive $0xFFFF  }
0x36: {  	[sflag:s0] =	ssyncadd.tile.s32 @!p0 $0x1;
	_ =	shalt  }
.Lfunc_end2:
_tile_overlayer_lowered:
.L_overlay_start_2:
0x37: {  	(tag) =	ssettag $0x2  }
0x38: {  	s0 =	rddreg [dreg:$0x0];
	s2 =	stileid.u32  }
0x39: {  	s1 =	rddreg [dreg:$0x1];
	p0 =	sne.s32 s2, $0x0  }
0x3a: {  	s3 =	rddreg [dreg:$0x2];
	[bflag:$0x3] =	sbarrier.arrive $0xFFFF;
	s2 =	simm.s32 @!p0 $0x1C02  }
0x3b: {  	[timem:s3], [sflag:s2] =	dma.local @!p0 [hbm:s0], s1  }
0x3c: {  	s0 =	simm.s32 @!p0 $0x2  }
0x3d: {  	_ =	swait.ge @!p0 [sflag:s0], s1  }
0x3e: {  	s1 =	ssub.s32 @!p0 $0x0, s1;
	[sflag:s0] =	ssyncset.done @!p0 $0x0  }
0x3f: {  	[sflag:s0] =	ssyncadd.s32 @!p0 s1  }
0x40: {  	[bflag:$0x3] =	sbarrier.arrive $0xFFFF  }
0x41: {  	_ =	shalt  }

</sc_bundles>
